<compile_context>
chip_gen: v7x
topology: tpu7x:2x2x1
jax: 0.10.2.dev20260603
libtpu: 0.0.44.dev20260713+nightly
codegen_flags: <defaults>
</compile_context>

<pallas_src>
import jax
import jax.numpy as jnp
from jax import lax
from jax.experimental import pallas as pl
from jax.experimental.pallas import tpu as pltpu
from jax.experimental.pallas import tpu_sc as plsc

VOCAB = 1000000
EMB = 64
BATCH = 16384

NC = 2
NS = 16
NW = NC * NS
SUBC = 512
NSUB = VOCAB // SUBC
TAIL = VOCAB - NSUB * SUBC
NCHUNK_PER_W = (NSUB + NW - 1) // NW
LANES = 16
SEL_CAP = BATCH + 2 * LANES
DUMP = SEL_CAP - 1
SENTINEL = 1 << 30


def _match01(chunk_vec, target):
    d = chunk_vec ^ target
    return ((d - 1) >> 31) & 1


_MESH = plsc.VectorSubcoreMesh(core_axis_name="c", subcore_axis_name="s")


def _body(idx_hbm, table_t_hbm, out_hbm, all_idx, sel_idx, sel_pos, buf0,
          buf1, tailbuf, ring, mcnt, sem0, sem1, rowsem):
    wid = lax.axis_index("s") * NC + lax.axis_index("c")
    mcnt[0] = 0

    pltpu.sync_copy(idx_hbm, all_idx)

    lane_iota = lax.iota(jnp.int32, LANES)

    def lane_gather(x, idx):
        return lax.gather(
            x, idx[:, None],
            dimension_numbers=lax.GatherDimensionNumbers(
                offset_dims=(), collapsed_slice_dims=(0,),
                start_index_map=(0,)),
            slice_sizes=(1,),
            mode=lax.GatherScatterMode.PROMISE_IN_BOUNDS,
        )

    def prefix16(x):
        for s in (1, 2, 4, 8):
            shifted = lane_gather(x, jnp.maximum(lane_iota - s, 0))
            keep = 1 - (((lane_iota - s) >> 31) & 1)
            x = x + shifted * keep
        return x

    mcnt[1] = 0

    def scan(k, carry):
        iv = all_idx[pl.ds(k * LANES, LANES)]
        ov = (iv >> 9) & (NW - 1)

        @pl.when(plsc.all_reduce_population_count(ov == wid)[0] > 0)
        def _():
            cnt = mcnt[1]
            e = _match01(ov, wid)
            incl = prefix16(e)
            tgt = cnt + incl - 1
            tgt = e * tgt + (1 - e) * DUMP
            plsc.store_scatter(sel_idx, [tgt], iv)
            plsc.store_scatter(sel_pos, [tgt], lane_iota + k * LANES)
            mcnt[1] = cnt + incl[LANES - 1]
        return carry

    lax.fori_loop(0, BATCH // LANES, scan, 0, unroll=2)
    cnt = mcnt[1]
    sel_idx[pl.ds(cnt, LANES)] = jnp.full((LANES,), SENTINEL, jnp.int32)
    ngrp = (cnt + LANES - 1) // LANES

    def extract_rows(c, src_buf):
        def group(u, carry):
            sv = sel_idx[pl.ds(u * LANES, LANES)]
            cv = sv >> 9
            e2 = _match01(cv, c)
            f0 = plsc.all_reduce_ffs(e2 == 1)[0]
            pv = sel_pos[pl.ds(u * LANES, LANES)]

            def has_match(st):
                return st[1] < LANES

            def per_match(st):
                e2c, f = st
                fv = jnp.full((LANES,), 0, jnp.int32) + f
                col = lane_gather(sv, fv)[0] & (SUBC - 1)
                pos = lane_gather(pv, fv)[0]
                mc = mcnt[0]
                slot = mc & 15

                @pl.when(mc >= 16)
                def _():
                    pltpu.make_async_copy(
                        out_hbm.at[pl.ds(0, EMB)],
                        ring.at[pl.ds(0, EMB)],
                        rowsem,
                    ).wait()

                for g in range(EMB // LANES):
                    vals = plsc.load_gather(
                        src_buf,
                        [lane_iota + g * LANES,
                         jnp.full((LANES,), col, jnp.int32)])
                    ring[pl.ds(slot * EMB + g * LANES, LANES)] = vals
                pltpu.async_copy(
                    ring.at[pl.ds(slot * EMB, EMB)],
                    out_hbm.at[pl.ds(pl.multiple_of(pos * EMB, EMB), EMB)],
                    rowsem,
                )
                mcnt[0] = mc + 1
                e2n = e2c * (1 - _match01(lane_iota, f))
                fn = plsc.all_reduce_ffs(e2n == 1)[0]
                return (e2n, fn)

            lax.while_loop(has_match, per_match, (e2, f0))
            return carry

        lax.fori_loop(0, ngrp, group, 0, unroll=False)

    def fetch(c, dst, sem):
        pltpu.async_copy(
            table_t_hbm.at[:, pl.ds(pl.multiple_of(c * SUBC, 128), SUBC)],
            dst, sem)

    def bufwait(dst, sem):
        pltpu.make_async_copy(
            table_t_hbm.at[:, pl.ds(0, SUBC)], dst, sem).wait()

    @pl.when(wid < NSUB)
    def _():
        fetch(wid, buf0, sem0)

    def pair(p, carry):
        ca = wid + (2 * p) * NW
        cb = ca + NW
        cc = cb + NW

        @pl.when(ca < NSUB)
        def _():
            bufwait(buf0, sem0)

            @pl.when(cb < NSUB)
            def _():
                fetch(cb, buf1, sem1)
            extract_rows(ca, buf0)

        @pl.when(cb < NSUB)
        def _():
            bufwait(buf1, sem1)

            @pl.when(cc < NSUB)
            def _():
                fetch(cc, buf0, sem0)
            extract_rows(cb, buf1)
        return carry

    lax.fori_loop(0, (NCHUNK_PER_W + 1) // 2, pair, 0, unroll=False)

    @pl.when(wid == NSUB % NW)
    def _():
        pltpu.sync_copy(table_t_hbm.at[:, pl.ds(NSUB * SUBC, TAIL)], tailbuf)
        extract_rows(jnp.int32(NSUB), tailbuf)

    def drain(r, carry):
        @pl.when(r < jnp.minimum(mcnt[0], 16))
        def _():
            pltpu.make_async_copy(
                out_hbm.at[pl.ds(0, EMB)],
                ring.at[pl.ds(0, EMB)],
                rowsem,
            ).wait()
        return carry

    lax.fori_loop(0, 16, drain, 0, unroll=False)


_gather = pl.kernel(
    _body,
    out_type=jax.ShapeDtypeStruct((BATCH * EMB,), jnp.float32),
    mesh=_MESH,
    compiler_params=pltpu.CompilerParams(needs_layout_passes=False),
    scratch_types=[
        pltpu.VMEM((BATCH,), jnp.int32),
        pltpu.VMEM((SEL_CAP,), jnp.int32),
        pltpu.VMEM((SEL_CAP,), jnp.int32),
        pltpu.VMEM((EMB, SUBC), jnp.float32),
        pltpu.VMEM((EMB, SUBC), jnp.float32),
        pltpu.VMEM((EMB, TAIL), jnp.float32),
        pltpu.VMEM((16 * EMB,), jnp.float32),
        pltpu.SMEM((2,), jnp.int32),
        pltpu.SemaphoreType.DMA,
        pltpu.SemaphoreType.DMA,
        pltpu.SemaphoreType.DMA,
    ],
)


@jax.jit
def kernel(inputs, embedding_table):
    flat = _gather(inputs, embedding_table.T)
    return flat.reshape(BATCH, EMB)

# --- scband reference (transcript-rebuilt; emitter-appended) ---
"""Pipeline reference for scband-skip-gram-45217415692855 (READ-ONLY COPY).

The authoritative reference and input builder live on the scoring server;
editing this copy changes nothing except your own understanding.
"""

import jax, jax.numpy as jnp
import numpy as np

VOCAB = 1000000
EMB = 64
BATCH = 16384

def setup_inputs(seed: int = 0) -> dict:
    key = jax.random.key(seed)
    k_idx, k_emb = jax.random.split(key)
    inputs = jax.random.randint(k_idx, (BATCH,), 0, VOCAB, dtype=jnp.int64 if jax.config.jax_enable_x64 else jnp.int32).astype(jnp.int32)
    embedding_table = jax.random.normal(k_emb, (VOCAB, EMB), dtype=jnp.float32) * 0.1
    return {"inputs": inputs, "embedding_table": embedding_table}

def reference(inputs, embedding_table):
    # keras.layers.Embedding lookup: table[inputs]
    emb = jnp.take(embedding_table, inputs, axis=0)
    # tf.squeeze: removes dims of size 1 (no-op for [B, E] with B,E>1)
    out = jnp.squeeze(emb)
    return out

if __name__ == "__main__":
    import jax
    _d = setup_inputs()
    print(jax.jit(kernel)(*tuple(_d.values())))

</pallas_src>

<mosaic_0001>
#map = affine_map<(d0, d1) -> (0)>
#map1 = affine_map<(d0, d1) -> (0, 0)>
module attributes {stable_mosaic.version = 14 : i64} {
  func.func @_body(%arg0: i32, %arg1: i32, %arg2: memref<16384xi32, #tpu.memory_space<hbm>>, %arg3: memref<64x1000000xf32, #tpu.memory_space<hbm>>, %arg4: memref<1048576xf32, #tpu.memory_space<hbm>>, %arg5: memref<16384xi32, #tpu.memory_space<vmem>>, %arg6: memref<16416xi32, #tpu.memory_space<vmem>>, %arg7: memref<16416xi32, #tpu.memory_space<vmem>>, %arg8: memref<64x512xf32, #tpu.memory_space<vmem>>, %arg9: memref<64x512xf32, #tpu.memory_space<vmem>>, %arg10: memref<64x64xf32, #tpu.memory_space<vmem>>, %arg11: memref<1024xf32, #tpu.memory_space<vmem>>, %arg12: memref<2xi32, #tpu.memory_space<smem>>, %arg13: memref<!tpu.dma_semaphore, #tpu.memory_space<semaphore_mem>>, %arg14: memref<!tpu.dma_semaphore, #tpu.memory_space<semaphore_mem>>, %arg15: memref<!tpu.dma_semaphore, #tpu.memory_space<semaphore_mem>>) attributes {dimension_semantics = [#tpu.dimension_semantics<core_parallel>, #tpu.dimension_semantics<subcore_parallel>], iteration_bounds = array<i64: 2, 16>, scalar_prefetch = 0 : i64, scratch_operands = 11 : i64, tpu.core_type = #tpu.core_type<sc_vector_subcore>, window_params = [{transform_indices = #map}, {transform_indices = #map1}, {transform_indices = #map}]} {
    %mul3A = arith.constant 2 : i32
    %mul3A_0 = arith.muli %arg1, %mul3A : i32
    %add3A = arith.addi %mul3A_0, %arg0 : i32
    %swap3A = arith.constant 0 : i32
    %swap3A_1 = arith.constant 0 : i32
    %swap3A_2 = arith.index_cast %swap3A_1 : i32 to index
    %swap3A_3 = memref.load %arg12[%swap3A_2] : memref<2xi32, #tpu.memory_space<smem>>
    memref.store %swap3A, %arg12[%swap3A_2] : memref<2xi32, #tpu.memory_space<smem>>
    "tpu.region"() ({
      %run_scoped3A = tpu.sem_alloc : memref<!tpu.dma_semaphore, #tpu.memory_space<semaphore_mem>>
      tpu.enqueue_dma source(%arg2 : memref<16384xi32, #tpu.memory_space<hbm>>) target(%arg5 : memref<16384xi32, #tpu.memory_space<vmem>>) target_semaphore(%run_scoped3A : memref<!tpu.dma_semaphore, #tpu.memory_space<semaphore_mem>>)
      tpu.wait_dma2 semaphore(%run_scoped3A : memref<!tpu.dma_semaphore, #tpu.memory_space<semaphore_mem>>) src(%arg2 : memref<16384xi32, #tpu.memory_space<hbm>>) dst(%arg5 : memref<16384xi32, #tpu.memory_space<vmem>>)
      tpu.yield
    }) : () -> ()
    %iota3A = tpu.iota {dimensions = array<i32: 0>} : vector<16xi32>
    %swap3A_4 = arith.constant 0 : i32
    %swap3A_5 = arith.constant 1 : i32
    %swap3A_6 = arith.index_cast %swap3A_5 : i32 to index
    %swap3A_7 = memref.load %arg12[%swap3A_6] : memref<2xi32, #tpu.memory_space<smem>>
    memref.store %swap3A_4, %arg12[%swap3A_6] : memref<2xi32, #tpu.memory_space<smem>>
    %scan3A = arith.constant 0 : i32
    %scan3A_8 = arith.constant 0 : i32
    %scan3A_9 = arith.constant 1024 : i32
    %scan3A_10 = arith.addi %scan3A_8, %scan3A_9 : i32
    %scan3A_11 = arith.constant 2 : i32
    scf.for %scan3A_56 = %scan3A_8 to %scan3A_10 step %scan3A_11  : i32 {
      %mul3A_57 = arith.constant 16 : i32
      %mul3A_58 = arith.muli %scan3A_56, %mul3A_57 : i32
      %get3A_59 = arith.index_cast %mul3A_58 : i32 to index
      %get3A_60 = tpu.vector_load %arg5[%get3A_59] {strides = array<i32>} : memref<16384xi32, #tpu.memory_space<vmem>>, vector<16xi32>,
      %shift_right_arithmetic3A = arith.constant 9 : i32
      %shift_right_arithmetic3A_61 = vector.broadcast %shift_right_arithmetic3A : i32 to vector<16xi32>
      %shift_right_arithmetic3A_62 = arith.shrsi %get3A_60, %shift_right_arithmetic3A_61 : vector<16xi32>
      %and3A_63 = arith.constant 31 : i32
      %and3A_64 = vector.broadcast %and3A_63 : i32 to vector<16xi32>
      %and3A_65 = arith.andi %shift_right_arithmetic3A_62, %and3A_64 : vector<16xi32>
      %eq3A_66 = vector.broadcast %add3A : i32 to vector<16xi32>
      %eq3A_67 = arith.cmpi eq, %and3A_65, %eq3A_66 : vector<16xi32>
      %all_reduce_population_count3A = tpu.all_reduce %eq3A_67 {dim = 0 : i64, kind = #tpu.reduction_kind<sum>} : vector<16xi1> -> vector<16xi32>
      %slice3A = vector.extract_strided_slice %all_reduce_population_count3A {offsets = [0], sizes = [1], strides = [1]} : vector<16xi32> to vector<1xi32>
      %squeeze3A = vector.extract %slice3A[0] : i32 from vector<1xi32>
      %gt3A = arith.constant 0 : i32
      %gt3A_68 = arith.cmpi sgt, %squeeze3A, %gt3A : i32
      %convert_element_type3A_69 = arith.extui %gt3A_68 : i1 to i32
      %cond3A_70 = arith.constant 0 : i32
      %cond3A_71 = arith.cmpi ne, %convert_element_type3A_69, %cond3A_70 : i32
      scf.if %cond3A_71 {
        %get3A_94 = arith.constant 1 : i32
        %get3A_95 = arith.index_cast %get3A_94 : i32 to index
        %get3A_96 = memref.load %arg12[%get3A_95] : memref<2xi32, #tpu.memory_space<smem>>
        %xor3A = vector.broadcast %add3A : i32 to vector<16xi32>
        %xor3A_97 = arith.xori %and3A_65, %xor3A : vector<16xi32>
        %sub3A_98 = arith.constant 1 : i32
        %sub3A_99 = vector.broadcast %sub3A_98 : i32 to vector<16xi32>
        %sub3A_100 = arith.subi %xor3A_97, %sub3A_99 : vector<16xi32>
        %shift_right_arithmetic3A_101 = arith.constant 31 : i32
        %shift_right_arithmetic3A_102 = vector.broadcast %shift_right_arithmetic3A_101 : i32 to vector<16xi32>
        %shift_right_arithmetic3A_103 = arith.shrsi %sub3A_100, %shift_right_arithmetic3A_102 : vector<16xi32>
        %and3A_104 = arith.constant 1 : i32
        %and3A_105 = vector.broadcast %and3A_104 : i32 to vector<16xi32>
        %and3A_106 = arith.andi %shift_right_arithmetic3A_103, %and3A_105 : vector<16xi32>
        %sub3A_107 = arith.constant 1 : i32
        %sub3A_108 = vector.broadcast %sub3A_107 : i32 to vector<16xi32>
        %sub3A_109 = arith.subi %iota3A, %sub3A_108 : vector<16xi32>
        %max3A = arith.constant 0 : i32
        %max3A_110 = vector.broadcast %max3A : i32 to vector<16xi32>
        %max3A_111 = arith.maxsi %sub3A_109, %max3A_110 : vector<16xi32>
        %broadcast_in_dim3A_112 = vector.shape_cast %max3A_111 : vector<16xi32> to vector<16x1xi32>
        %gather3A = vector.shape_cast %broadcast_in_dim3A_112 : vector<16x1xi32> to vector<16xi32>
        %gather3A_113 = tpu.dynamic_gather %and3A_106[%gather3A] in [0] : vector<16xi32>, vector<16xi32> -> vector<16xi32>
        %sub3A_114 = arith.constant 1 : i32
        %sub3A_115 = vector.broadcast %sub3A_114 : i32 to vector<16xi32>
        %sub3A_116 = arith.subi %iota3A, %sub3A_115 : vector<16xi32>
        %shift_right_arithmetic3A_117 = arith.constant 31 : i32
        %shift_right_arithmetic3A_118 = vector.broadcast %shift_right_arithmetic3A_117 : i32 to vector<16xi32>
        %shift_right_arithmetic3A_119 = arith.shrsi %sub3A_116, %shift_right_arithmetic3A_118 : vector<16xi32>
        %and3A_120 = arith.constant 1 : i32
        %and3A_121 = vector.broadcast %and3A_120 : i32 to vector<16xi32>
        %and3A_122 = arith.andi %shift_right_arithmetic3A_119, %and3A_121 : vector<16xi32>
        %sub3A_123 = arith.constant 1 : i32
        %sub3A_124 = vector.broadcast %sub3A_123 : i32 to vector<16xi32>
        %sub3A_125 = arith.subi %sub3A_124, %and3A_122 : vector<16xi32>
        %mul3A_126 = arith.muli %gather3A_113, %sub3A_125 : vector<16xi32>
        %add3A_127 = arith.addi %and3A_106, %mul3A_126 : vector<16xi32>
        %sub3A_128 = arith.constant 2 : i32
        %sub3A_129 = vector.broadcast %sub3A_128 : i32 to vector<16xi32>
        %sub3A_130 = arith.subi %iota3A, %sub3A_129 : vector<16xi32>
        %max3A_131 = arith.constant 0 : i32
        %max3A_132 = vector.broadcast %max3A_131 : i32 to vector<16xi32>
        %max3A_133 = arith.maxsi %sub3A_130, %max3A_132 : vector<16xi32>
        %broadcast_in_dim3A_134 = vector.shape_cast %max3A_133 : vector<16xi32> to vector<16x1xi32>
        %gather3A_135 = vector.shape_cast %broadcast_in_dim3A_134 : vector<16x1xi32> to vector<16xi32>
        %gather3A_136 = tpu.dynamic_gather %add3A_127[%gather3A_135] in [0] : vector<16xi32>, vector<16xi32> -> vector<16xi32>
        %sub3A_137 = arith.constant 2 : i32
        %sub3A_138 = vector.broadcast %sub3A_137 : i32 to vector<16xi32>
        %sub3A_139 = arith.subi %iota3A, %sub3A_138 : vector<16xi32>
        %shift_right_arithmetic3A_140 = arith.constant 31 : i32
        %shift_right_arithmetic3A_141 = vector.broadcast %shift_right_arithmetic3A_140 : i32 to vector<16xi32>
        %shift_right_arithmetic3A_142 = arith.shrsi %sub3A_139, %shift_right_arithmetic3A_141 : vector<16xi32>
        %and3A_143 = arith.constant 1 : i32
        %and3A_144 = vector.broadcast %and3A_143 : i32 to vector<16xi32>
        %and3A_145 = arith.andi %shift_right_arithmetic3A_142, %and3A_144 : vector<16xi32>
        %sub3A_146 = arith.constant 1 : i32
        %sub3A_147 = vector.broadcast %sub3A_146 : i32 to vector<16xi32>
        %sub3A_148 = arith.subi %sub3A_147, %and3A_145 : vector<16xi32>
        %mul3A_149 = arith.muli %gather3A_136, %sub3A_148 : vector<16xi32>
        %add3A_150 = arith.addi %add3A_127, %mul3A_149 : vector<16xi32>
        %sub3A_151 = arith.constant 4 : i32
        %sub3A_152 = vector.broadcast %sub3A_151 : i32 to vector<16xi32>
        %sub3A_153 = arith.subi %iota3A, %sub3A_152 : vector<16xi32>
        %max3A_154 = arith.constant 0 : i32
        %max3A_155 = vector.broadcast %max3A_154 : i32 to vector<16xi32>
        %max3A_156 = arith.maxsi %sub3A_153, %max3A_155 : vector<16xi32>
        %broadcast_in_dim3A_157 = vector.shape_cast %max3A_156 : vector<16xi32> to vector<16x1xi32>
        %gather3A_158 = vector.shape_cast %broadcast_in_dim3A_157 : vector<16x1xi32> to vector<16xi32>
        %gather3A_159 = tpu.dynamic_gather %add3A_150[%gather3A_158] in [0] : vector<16xi32>, vector<16xi32> -> vector<16xi32>
        %sub3A_160 = arith.constant 4 : i32
        %sub3A_161 = vector.broadcast %sub3A_160 : i32 to vector<16xi32>
        %sub3A_162 = arith.subi %iota3A, %sub3A_161 : vector<16xi32>
        %shift_right_arithmetic3A_163 = arith.constant 31 : i32
        %shift_right_arithmetic3A_164 = vector.broadcast %shift_right_arithmetic3A_163 : i32 to vector<16xi32>
        %shift_right_arithmetic3A_165 = arith.shrsi %sub3A_162, %shift_right_arithmetic3A_164 : vector<16xi32>
        %and3A_166 = arith.constant 1 : i32
        %and3A_167 = vector.broadcast %and3A_166 : i32 to vector<16xi32>
        %and3A_168 = arith.andi %shift_right_arithmetic3A_165, %and3A_167 : vector<16xi32>
        %sub3A_169 = arith.constant 1 : i32
        %sub3A_170 = vector.broadcast %sub3A_169 : i32 to vector<16xi32>
        %sub3A_171 = arith.subi %sub3A_170, %and3A_168 : vector<16xi32>
        %mul3A_172 = arith.muli %gather3A_159, %sub3A_171 : vector<16xi32>
        %add3A_173 = arith.addi %add3A_150, %mul3A_172 : vector<16xi32>
        %sub3A_174 = arith.constant 8 : i32
        %sub3A_175 = vector.broadcast %sub3A_174 : i32 to vector<16xi32>
        %sub3A_176 = arith.subi %iota3A, %sub3A_175 : vector<16xi32>
        %max3A_177 = arith.constant 0 : i32
        %max3A_178 = vector.broadcast %max3A_177 : i32 to vector<16xi32>
        %max3A_179 = arith.maxsi %sub3A_176, %max3A_178 : vector<16xi32>
        %broadcast_in_dim3A_180 = vector.shape_cast %max3A_179 : vector<16xi32> to vector<16x1xi32>
        %gather3A_181 = vector.shape_cast %broadcast_in_dim3A_180 : vector<16x1xi32> to vector<16xi32>
        %gather3A_182 = tpu.dynamic_gather %add3A_173[%gather3A_181] in [0] : vector<16xi32>, vector<16xi32> -> vector<16xi32>
        %sub3A_183 = arith.constant 8 : i32
        %sub3A_184 = vector.broadcast %sub3A_183 : i32 to vector<16xi32>
        %sub3A_185 = arith.subi %iota3A, %sub3A_184 : vector<16xi32>
        %shift_right_arithmetic3A_186 = arith.constant 31 : i32
        %shift_right_arithmetic3A_187 = vector.broadcast %shift_right_arithmetic3A_186 : i32 to vector<16xi32>
        %shift_right_arithmetic3A_188 = arith.shrsi %sub3A_185, %shift_right_arithmetic3A_187 : vector<16xi32>
        %and3A_189 = arith.constant 1 : i32
        %and3A_190 = vector.broadcast %and3A_189 : i32 to vector<16xi32>
        %and3A_191 = arith.andi %shift_right_arithmetic3A_188, %and3A_190 : vector<16xi32>
        %sub3A_192 = arith.constant 1 : i32
        %sub3A_193 = vector.broadcast %sub3A_192 : i32 to vector<16xi32>
        %sub3A_194 = arith.subi %sub3A_193, %and3A_191 : vector<16xi32>
        %mul3A_195 = arith.muli %gather3A_182, %sub3A_194 : vector<16xi32>
        %add3A_196 = arith.addi %add3A_173, %mul3A_195 : vector<16xi32>
        %add3A_197 = vector.broadcast %get3A_96 : i32 to vector<16xi32>
        %add3A_198 = arith.addi %add3A_197, %add3A_196 : vector<16xi32>
        %sub3A_199 = arith.constant 1 : i32
        %sub3A_200 = vector.broadcast %sub3A_199 : i32 to vector<16xi32>
        %sub3A_201 = arith.subi %add3A_198, %sub3A_200 : vector<16xi32>
        %mul3A_202 = arith.muli %and3A_106, %sub3A_201 : vector<16xi32>
        %sub3A_203 = arith.constant 1 : i32
        %sub3A_204 = vector.broadcast %sub3A_203 : i32 to vector<16xi32>
        %sub3A_205 = arith.subi %sub3A_204, %and3A_106 : vector<16xi32>
        %mul3A_206 = arith.constant 16415 : i32
        %mul3A_207 = vector.broadcast %mul3A_206 : i32 to vector<16xi32>
        %mul3A_208 = arith.muli %sub3A_205, %mul3A_207 : vector<16xi32>
        %add3A_209 = arith.addi %mul3A_202, %mul3A_208 : vector<16xi32>
        tpu.vector_store_idx %arg6[%add3A_209], %get3A_60 : memref<16416xi32, #tpu.memory_space<vmem>>[vector<16xi32>], vector<16xi32>,
        %mul3A_210 = arith.constant 16 : i32
        %mul3A_211 = arith.muli %scan3A_56, %mul3A_210 : i32
        %add3A_212 = vector.broadcast %mul3A_211 : i32 to vector<16xi32>
        %add3A_213 = arith.addi %iota3A, %add3A_212 : vector<16xi32>
        tpu.vector_store_idx %arg7[%add3A_209], %add3A_213 : memref<16416xi32, #tpu.memory_space<vmem>>[vector<16xi32>], vector<16xi32>,
        %slice3A_214 = vector.extract_strided_slice %add3A_196 {offsets = [15], sizes = [1], strides = [1]} : vector<16xi32> to vector<1xi32>
        %squeeze3A_215 = vector.extract %slice3A_214[0] : i32 from vector<1xi32>
        %add3A_216 = arith.addi %get3A_96, %squeeze3A_215 : i32
        %swap3A_217 = arith.constant 1 : i32
        %swap3A_218 = arith.index_cast %swap3A_217 : i32 to index
        %swap3A_219 = memref.load %arg12[%swap3A_218] : memref<2xi32, #tpu.memory_space<smem>>
        memref.store %add3A_216, %arg12[%swap3A_218] : memref<2xi32, #tpu.memory_space<smem>>
      } else {
      }
      %scan3A_72 = arith.constant 1 : i32
      %scan3A_73 = arith.addi %scan3A_56, %scan3A_72 : i32
      %mul3A_74 = arith.constant 16 : i32
      %mul3A_75 = arith.muli %scan3A_73, %mul3A_74 : i32
      %get3A_76 = arith.index_cast %mul3A_75 : i32 to index
      %get3A_77 = tpu.vector_load %arg5[%get3A_76] {strides = array<i32>} : memref<16384xi32, #tpu.memory_space<vmem>>, vector<16xi32>,
      %shift_right_arithmetic3A_78 = arith.constant 9 : i32
      %shift_right_arithmetic3A_79 = vector.broadcast %shift_right_arithmetic3A_78 : i32 to vector<16xi32>
      %shift_right_arithmetic3A_80 = arith.shrsi %get3A_77, %shift_right_arithmetic3A_79 : vector<16xi32>
      %and3A_81 = arith.constant 31 : i32
      %and3A_82 = vector.broadcast %and3A_81 : i32 to vector<16xi32>
      %and3A_83 = arith.andi %shift_right_arithmetic3A_80, %and3A_82 : vector<16xi32>
      %eq3A_84 = vector.broadcast %add3A : i32 to vector<16xi32>
      %eq3A_85 = arith.cmpi eq, %and3A_83, %eq3A_84 : vector<16xi32>
      %all_reduce_population_count3A_86 = tpu.all_reduce %eq3A_85 {dim = 0 : i64, kind = #tpu.reduction_kind<sum>} : vector<16xi1> -> vector<16xi32>
      %slice3A_87 = vector.extract_strided_slice %all_reduce_population_count3A_86 {offsets = [0], sizes = [1], strides = [1]} : vector<16xi32> to vector<1xi32>
      %squeeze3A_88 = vector.extract %slice3A_87[0] : i32 from vector<1xi32>
      %gt3A_89 = arith.constant 0 : i32
      %gt3A_90 = arith.cmpi sgt, %squeeze3A_88, %gt3A_89 : i32
      %convert_element_type3A_91 = arith.extui %gt3A_90 : i1 to i32
      %cond3A_92 = arith.constant 0 : i32
      %cond3A_93 = arith.cmpi ne, %convert_element_type3A_91, %cond3A_92 : i32
      scf.if %cond3A_93 {
        %get3A_94 = arith.constant 1 : i32
        %get3A_95 = arith.index_cast %get3A_94 : i32 to index
        %get3A_96 = memref.load %arg12[%get3A_95] : memref<2xi32, #tpu.memory_space<smem>>
        %xor3A = vector.broadcast %add3A : i32 to vector<16xi32>
        %xor3A_97 = arith.xori %and3A_83, %xor3A : vector<16xi32>
        %sub3A_98 = arith.constant 1 : i32
        %sub3A_99 = vector.broadcast %sub3A_98 : i32 to vector<16xi32>
        %sub3A_100 = arith.subi %xor3A_97, %sub3A_99 : vector<16xi32>
        %shift_right_arithmetic3A_101 = arith.constant 31 : i32
        %shift_right_arithmetic3A_102 = vector.broadcast %shift_right_arithmetic3A_101 : i32 to vector<16xi32>
        %shift_right_arithmetic3A_103 = arith.shrsi %sub3A_100, %shift_right_arithmetic3A_102 : vector<16xi32>
        %and3A_104 = arith.constant 1 : i32
        %and3A_105 = vector.broadcast %and3A_104 : i32 to vector<16xi32>
        %and3A_106 = arith.andi %shift_right_arithmetic3A_103, %and3A_105 : vector<16xi32>
        %sub3A_107 = arith.constant 1 : i32
        %sub3A_108 = vector.broadcast %sub3A_107 : i32 to vector<16xi32>
        %sub3A_109 = arith.subi %iota3A, %sub3A_108 : vector<16xi32>
        %max3A = arith.constant 0 : i32
        %max3A_110 = vector.broadcast %max3A : i32 to vector<16xi32>
        %max3A_111 = arith.maxsi %sub3A_109, %max3A_110 : vector<16xi32>
        %broadcast_in_dim3A_112 = vector.shape_cast %max3A_111 : vector<16xi32> to vector<16x1xi32>
        %gather3A = vector.shape_cast %broadcast_in_dim3A_112 : vector<16x1xi32> to vector<16xi32>
        %gather3A_113 = tpu.dynamic_gather %and3A_106[%gather3A] in [0] : vector<16xi32>, vector<16xi32> -> vector<16xi32>
        %sub3A_114 = arith.constant 1 : i32
        %sub3A_115 = vector.broadcast %sub3A_114 : i32 to vector<16xi32>
        %sub3A_116 = arith.subi %iota3A, %sub3A_115 : vector<16xi32>
        %shift_right_arithmetic3A_117 = arith.constant 31 : i32
        %shift_right_arithmetic3A_118 = vector.broadcast %shift_right_arithmetic3A_117 : i32 to vector<16xi32>
        %shift_right_arithmetic3A_119 = arith.shrsi %sub3A_116, %shift_right_arithmetic3A_118 : vector<16xi32>
        %and3A_120 = arith.constant 1 : i32
        %and3A_121 = vector.broadcast %and3A_120 : i32 to vector<16xi32>
        %and3A_122 = arith.andi %shift_right_arithmetic3A_119, %and3A_121 : vector<16xi32>
        %sub3A_123 = arith.constant 1 : i32
        %sub3A_124 = vector.broadcast %sub3A_123 : i32 to vector<16xi32>
        %sub3A_125 = arith.subi %sub3A_124, %and3A_122 : vector<16xi32>
        %mul3A_126 = arith.muli %gather3A_113, %sub3A_125 : vector<16xi32>
        %add3A_127 = arith.addi %and3A_106, %mul3A_126 : vector<16xi32>
        %sub3A_128 = arith.constant 2 : i32
        %sub3A_129 = vector.broadcast %sub3A_128 : i32 to vector<16xi32>
        %sub3A_130 = arith.subi %iota3A, %sub3A_129 : vector<16xi32>
        %max3A_131 = arith.constant 0 : i32
        %max3A_132 = vector.broadcast %max3A_131 : i32 to vector<16xi32>
        %max3A_133 = arith.maxsi %sub3A_130, %max3A_132 : vector<16xi32>
        %broadcast_in_dim3A_134 = vector.shape_cast %max3A_133 : vector<16xi32> to vector<16x1xi32>
        %gather3A_135 = vector.shape_cast %broadcast_in_dim3A_134 : vector<16x1xi32> to vector<16xi32>
        %gather3A_136 = tpu.dynamic_gather %add3A_127[%gather3A_135] in [0] : vector<16xi32>, vector<16xi32> -> vector<16xi32>
        %sub3A_137 = arith.constant 2 : i32
        %sub3A_138 = vector.broadcast %sub3A_137 : i32 to vector<16xi32>
        %sub3A_139 = arith.subi %iota3A, %sub3A_138 : vector<16xi32>
        %shift_right_arithmetic3A_140 = arith.constant 31 : i32
        %shift_right_arithmetic3A_141 = vector.broadcast %shift_right_arithmetic3A_140 : i32 to vector<16xi32>
        %shift_right_arithmetic3A_142 = arith.shrsi %sub3A_139, %shift_right_arithmetic3A_141 : vector<16xi32>
        %and3A_143 = arith.constant 1 : i32
        %and3A_144 = vector.broadcast %and3A_143 : i32 to vector<16xi32>
        %and3A_145 = arith.andi %shift_right_arithmetic3A_142, %and3A_144 : vector<16xi32>
        %sub3A_146 = arith.constant 1 : i32
        %sub3A_147 = vector.broadcast %sub3A_146 : i32 to vector<16xi32>
        %sub3A_148 = arith.subi %sub3A_147, %and3A_145 : vector<16xi32>
        %mul3A_149 = arith.muli %gather3A_136, %sub3A_148 : vector<16xi32>
        %add3A_150 = arith.addi %add3A_127, %mul3A_149 : vector<16xi32>
        %sub3A_151 = arith.constant 4 : i32
        %sub3A_152 = vector.broadcast %sub3A_151 : i32 to vector<16xi32>
        %sub3A_153 = arith.subi %iota3A, %sub3A_152 : vector<16xi32>
        %max3A_154 = arith.constant 0 : i32
        %max3A_155 = vector.broadcast %max3A_154 : i32 to vector<16xi32>
        %max3A_156 = arith.maxsi %sub3A_153, %max3A_155 : vector<16xi32>
        %broadcast_in_dim3A_157 = vector.shape_cast %max3A_156 : vector<16xi32> to vector<16x1xi32>
        %gather3A_158 = vector.shape_cast %broadcast_in_dim3A_157 : vector<16x1xi32> to vector<16xi32>
        %gather3A_159 = tpu.dynamic_gather %add3A_150[%gather3A_158] in [0] : vector<16xi32>, vector<16xi32> -> vector<16xi32>
        %sub3A_160 = arith.constant 4 : i32
        %sub3A_161 = vector.broadcast %sub3A_160 : i32 to vector<16xi32>
        %sub3A_162 = arith.subi %iota3A, %sub3A_161 : vector<16xi32>
        %shift_right_arithmetic3A_163 = arith.constant 31 : i32
        %shift_right_arithmetic3A_164 = vector.broadcast %shift_right_arithmetic3A_163 : i32 to vector<16xi32>
        %shift_right_arithmetic3A_165 = arith.shrsi %sub3A_162, %shift_right_arithmetic3A_164 : vector<16xi32>
        %and3A_166 = arith.constant 1 : i32
        %and3A_167 = vector.broadcast %and3A_166 : i32 to vector<16xi32>
        %and3A_168 = arith.andi %shift_right_arithmetic3A_165, %and3A_167 : vector<16xi32>
        %sub3A_169 = arith.constant 1 : i32
        %sub3A_170 = vector.broadcast %sub3A_169 : i32 to vector<16xi32>
        %sub3A_171 = arith.subi %sub3A_170, %and3A_168 : vector<16xi32>
        %mul3A_172 = arith.muli %gather3A_159, %sub3A_171 : vector<16xi32>
        %add3A_173 = arith.addi %add3A_150, %mul3A_172 : vector<16xi32>
        %sub3A_174 = arith.constant 8 : i32
        %sub3A_175 = vector.broadcast %sub3A_174 : i32 to vector<16xi32>
        %sub3A_176 = arith.subi %iota3A, %sub3A_175 : vector<16xi32>
        %max3A_177 = arith.constant 0 : i32
        %max3A_178 = vector.broadcast %max3A_177 : i32 to vector<16xi32>
        %max3A_179 = arith.maxsi %sub3A_176, %max3A_178 : vector<16xi32>
        %broadcast_in_dim3A_180 = vector.shape_cast %max3A_179 : vector<16xi32> to vector<16x1xi32>
        %gather3A_181 = vector.shape_cast %broadcast_in_dim3A_180 : vector<16x1xi32> to vector<16xi32>
        %gather3A_182 = tpu.dynamic_gather %add3A_173[%gather3A_181] in [0] : vector<16xi32>, vector<16xi32> -> vector<16xi32>
        %sub3A_183 = arith.constant 8 : i32
        %sub3A_184 = vector.broadcast %sub3A_183 : i32 to vector<16xi32>
        %sub3A_185 = arith.subi %iota3A, %sub3A_184 : vector<16xi32>
        %shift_right_arithmetic3A_186 = arith.constant 31 : i32
        %shift_right_arithmetic3A_187 = vector.broadcast %shift_right_arithmetic3A_186 : i32 to vector<16xi32>
        %shift_right_arithmetic3A_188 = arith.shrsi %sub3A_185, %shift_right_arithmetic3A_187 : vector<16xi32>
        %and3A_189 = arith.constant 1 : i32
        %and3A_190 = vector.broadcast %and3A_189 : i32 to vector<16xi32>
        %and3A_191 = arith.andi %shift_right_arithmetic3A_188, %and3A_190 : vector<16xi32>
        %sub3A_192 = arith.constant 1 : i32
        %sub3A_193 = vector.broadcast %sub3A_192 : i32 to vector<16xi32>
        %sub3A_194 = arith.subi %sub3A_193, %and3A_191 : vector<16xi32>
        %mul3A_195 = arith.muli %gather3A_182, %sub3A_194 : vector<16xi32>
        %add3A_196 = arith.addi %add3A_173, %mul3A_195 : vector<16xi32>
        %add3A_197 = vector.broadcast %get3A_96 : i32 to vector<16xi32>
        %add3A_198 = arith.addi %add3A_197, %add3A_196 : vector<16xi32>
        %sub3A_199 = arith.constant 1 : i32
        %sub3A_200 = vector.broadcast %sub3A_199 : i32 to vector<16xi32>
        %sub3A_201 = arith.subi %add3A_198, %sub3A_200 : vector<16xi32>
        %mul3A_202 = arith.muli %and3A_106, %sub3A_201 : vector<16xi32>
        %sub3A_203 = arith.constant 1 : i32
        %sub3A_204 = vector.broadcast %sub3A_203 : i32 to vector<16xi32>
        %sub3A_205 = arith.subi %sub3A_204, %and3A_106 : vector<16xi32>
        %mul3A_206 = arith.constant 16415 : i32
        %mul3A_207 = vector.broadcast %mul3A_206 : i32 to vector<16xi32>
        %mul3A_208 = arith.muli %sub3A_205, %mul3A_207 : vector<16xi32>
        %add3A_209 = arith.addi %mul3A_202, %mul3A_208 : vector<16xi32>
        tpu.vector_store_idx %arg6[%add3A_209], %get3A_77 : memref<16416xi32, #tpu.memory_space<vmem>>[vector<16xi32>], vector<16xi32>,
        %mul3A_210 = arith.constant 16 : i32
        %mul3A_211 = arith.muli %scan3A_73, %mul3A_210 : i32
        %add3A_212 = vector.broadcast %mul3A_211 : i32 to vector<16xi32>
        %add3A_213 = arith.addi %iota3A, %add3A_212 : vector<16xi32>
        tpu.vector_store_idx %arg7[%add3A_209], %add3A_213 : memref<16416xi32, #tpu.memory_space<vmem>>[vector<16xi32>], vector<16xi32>,
        %slice3A_214 = vector.extract_strided_slice %add3A_196 {offsets = [15], sizes = [1], strides = [1]} : vector<16xi32> to vector<1xi32>
        %squeeze3A_215 = vector.extract %slice3A_214[0] : i32 from vector<1xi32>
        %add3A_216 = arith.addi %get3A_96, %squeeze3A_215 : i32
        %swap3A_217 = arith.constant 1 : i32
        %swap3A_218 = arith.index_cast %swap3A_217 : i32 to index
        %swap3A_219 = memref.load %arg12[%swap3A_218] : memref<2xi32, #tpu.memory_space<smem>>
        memref.store %add3A_216, %arg12[%swap3A_218] : memref<2xi32, #tpu.memory_space<smem>>
      } else {
      }
    }
    %scan3A_12 = arith.constant 1024 : i32
    %get3A = arith.constant 1 : i32
    %get3A_13 = arith.index_cast %get3A : i32 to index
    %get3A_14 = memref.load %arg12[%get3A_13] : memref<2xi32, #tpu.memory_space<smem>>
    %broadcast_in_dim3A = arith.constant 1073741824 : i32
    %broadcast_in_dim3A_15 = vector.broadcast %broadcast_in_dim3A : i32 to vector<16xi32>
    %swap3A_16 = arith.index_cast %get3A_14 : i32 to index
    %swap3A_17 = tpu.vector_load %arg6[%swap3A_16] {strides = array<i32>} : memref<16416xi32, #tpu.memory_space<vmem>>, vector<16xi32>,
    tpu.vector_store %arg6[%swap3A_16], %broadcast_in_dim3A_15 {strides = array<i32>} : memref<16416xi32, #tpu.memory_space<vmem>>, vector<16xi32>,
    %add3A_18 = arith.constant 16 : i32
    %add3A_19 = arith.addi %get3A_14, %add3A_18 : i32
    %sub3A = arith.constant 1 : i32
    %sub3A_20 = arith.subi %add3A_19, %sub3A : i32
    %jit3A = arith.constant 16 : i32
    %div3A = arith.divsi %sub3A_20, %jit3A : i32
    %sign3A = arith.constant 0 : i32
    %sign3A_21 = arith.cmpi sgt, %sub3A_20, %sign3A : i32
    %sign3A_22 = arith.extui %sign3A_21 : i1 to i32
    %sign3A_23 = arith.constant 0 : i32
    %sign3A_24 = arith.cmpi slt, %sub3A_20, %sign3A_23 : i32
    %sign3A_25 = arith.extui %sign3A_24 : i1 to i32
    %sign3A_26 = arith.subi %sign3A_22, %sign3A_25 : i32
    %sign3A_27 = arith.constant 0 : i32
    %sign3A_28 = arith.cmpi sgt, %jit3A, %sign3A_27 : i32
    %sign3A_29 = arith.extui %sign3A_28 : i1 to i32
    %sign3A_30 = arith.constant 0 : i32
    %sign3A_31 = arith.cmpi slt, %jit3A, %sign3A_30 : i32
    %sign3A_32 = arith.extui %sign3A_31 : i1 to i32
    %sign3A_33 = arith.subi %sign3A_29, %sign3A_32 : i32
    %ne3A = arith.cmpi ne, %sign3A_26, %sign3A_33 : i32
    %rem3A = arith.remsi %sub3A_20, %jit3A : i32
    %ne3A_34 = arith.constant 0 : i32
    %ne3A_35 = arith.cmpi ne, %rem3A, %ne3A_34 : i32
    %and3A = arith.andi %ne3A, %ne3A_35 : i1
    %sub3A_36 = arith.constant 1 : i32
    %sub3A_37 = arith.subi %div3A, %sub3A_36 : i32
    %select_n3A = arith.select %and3A, %sub3A_37, %div3A : i32
    %lt3A = arith.constant 1953 : i32
    %lt3A_38 = arith.cmpi slt, %add3A, %lt3A : i32
    %convert_element_type3A = arith.extui %lt3A_38 : i1 to i32
    %cond3A = arith.constant 0 : i32
    %cond3A_39 = arith.cmpi ne, %convert_element_type3A, %cond3A : i32
    scf.if %cond3A_39 {
      %mul3A_56 = arith.constant 512 : i32
      %mul3A_57 = arith.muli %add3A, %mul3A_56 : i32
      %multiple_of3A = tpu.assume_multiple %mul3A_57, 128 : i32
      %dma_start3A = arith.constant 0 : i32
      %dma_start3A_58 = tpu.memref_slice %arg3[%dma_start3A, %multiple_of3A] : memref<64x1000000xf32, #tpu.memory_space<hbm>> -> memref<64x512xf32, #tpu.memory_space<hbm>>
      %dma_start3A_59 = arith.constant 0 : i32
      %dma_start3A_60 = tpu.memref_slice %arg3[%dma_start3A_59, %multiple_of3A] : memref<64x1000000xf32, #tpu.memory_space<hbm>> -> memref<64x512xf32, #tpu.memory_space<hbm>>
      tpu.enqueue_dma source(%dma_start3A_60 : memref<64x512xf32, #tpu.memory_space<hbm>>) target(%arg8 : memref<64x512xf32, #tpu.memory_space<vmem>>) target_semaphore(%arg13 : memref<!tpu.dma_semaphore, #tpu.memory_space<semaphore_mem>>)
    } else {
    }
    %scan3A_40 = arith.constant 0 : i32
    %scan3A_41 = arith.constant 0 : i32
    %scan3A_42 = arith.constant 31 : i32
    %scan3A_43 = arith.addi %scan3A_41, %scan3A_42 : i32
    %scan3A_44 = arith.constant 1 : i32
    scf.for %scan3A_56 = %scan3A_41 to %scan3A_43 step %scan3A_44  : i32 {
      %mul3A_57 = arith.constant 2 : i32
      %mul3A_58 = arith.muli %mul3A_57, %scan3A_56 : i32
      %mul3A_59 = arith.constant 32 : i32
      %mul3A_60 = arith.muli %mul3A_58, %mul3A_59 : i32
      %add3A_61 = arith.addi %add3A, %mul3A_60 : i32
      %add3A_62 = arith.constant 32 : i32
      %add3A_63 = arith.addi %add3A_61, %add3A_62 : i32
      %add3A_64 = arith.constant 32 : i32
      %add3A_65 = arith.addi %add3A_63, %add3A_64 : i32
      %lt3A_66 = arith.constant 1953 : i32
      %lt3A_67 = arith.cmpi slt, %add3A_61, %lt3A_66 : i32
      %convert_element_type3A_68 = arith.extui %lt3A_67 : i1 to i32
      %cond3A_69 = arith.constant 0 : i32
      %cond3A_70 = arith.cmpi ne, %convert_element_type3A_68, %cond3A_69 : i32
      scf.if %cond3A_70 {
        %dma_wait3A = arith.constant 0 : i32
        %dma_wait3A_76 = arith.constant 0 : i32
        %dma_wait3A_77 = tpu.memref_slice %arg3[%dma_wait3A, %dma_wait3A_76] : memref<64x1000000xf32, #tpu.memory_space<hbm>> -> memref<64x512xf32, #tpu.memory_space<hbm>>
        %dma_wait3A_78 = arith.constant 0 : i32
        %dma_wait3A_79 = arith.constant 0 : i32
        %dma_wait3A_80 = tpu.memref_slice %arg3[%dma_wait3A_78, %dma_wait3A_79] : memref<64x1000000xf32, #tpu.memory_space<hbm>> -> memref<64x512xf32, #tpu.memory_space<hbm>>
        tpu.wait_dma2 semaphore(%arg13 : memref<!tpu.dma_semaphore, #tpu.memory_space<semaphore_mem>>) src(%dma_wait3A_80 : memref<64x512xf32, #tpu.memory_space<hbm>>) dst(%arg8 : memref<64x512xf32, #tpu.memory_space<vmem>>)
        %lt3A_81 = arith.constant 1953 : i32
        %lt3A_82 = arith.cmpi slt, %add3A_63, %lt3A_81 : i32
        %convert_element_type3A_83 = arith.extui %lt3A_82 : i1 to i32
        %cond3A_84 = arith.constant 0 : i32
        %cond3A_85 = arith.cmpi ne, %convert_element_type3A_83, %cond3A_84 : i32
        scf.if %cond3A_85 {
          %mul3A_95 = arith.constant 512 : i32
          %mul3A_96 = arith.muli %add3A_63, %mul3A_95 : i32
          %multiple_of3A = tpu.assume_multiple %mul3A_96, 128 : i32
          %dma_start3A = arith.constant 0 : i32
          %dma_start3A_97 = tpu.memref_slice %arg3[%dma_start3A, %multiple_of3A] : memref<64x1000000xf32, #tpu.memory_space<hbm>> -> memref<64x512xf32, #tpu.memory_space<hbm>>
          %dma_start3A_98 = arith.constant 0 : i32
          %dma_start3A_99 = tpu.memref_slice %arg3[%dma_start3A_98, %multiple_of3A] : memref<64x1000000xf32, #tpu.memory_space<hbm>> -> memref<64x512xf32, #tpu.memory_space<hbm>>
          tpu.enqueue_dma source(%dma_start3A_99 : memref<64x512xf32, #tpu.memory_space<hbm>>) target(%arg9 : memref<64x512xf32, #tpu.memory_space<vmem>>) target_semaphore(%arg14 : memref<!tpu.dma_semaphore, #tpu.memory_space<semaphore_mem>>)
        } else {
        }
        %while3A = arith.constant 0 : i32
        %while3A_86 = arith.constant 0 : i32
        %while3A_87 = arith.subi %select_n3A, %while3A_86 : i32
        %while3A_88 = arith.addi %while3A_86, %while3A_87 : i32
        %while3A_89 = arith.constant 1 : i32
        %while3A_90 = arith.divsi %while3A_87, %while3A_89 : i32
        %while3A_91 = arith.muli %while3A_90, %while3A_89 : i32
        %while3A_92 = arith.addi %while3A_86, %while3A_91 : i32
        %while3A_93 = arith.constant 1 : i32
        scf.for %while3A_95 = %while3A_86 to %while3A_92 step %while3A_93  : i32 {
          %mul3A_96 = arith.constant 16 : i32
          %mul3A_97 = arith.muli %while3A_95, %mul3A_96 : i32
          %get3A_98 = arith.index_cast %mul3A_97 : i32 to index
          %get3A_99 = tpu.vector_load %arg6[%get3A_98] {strides = array<i32>} : memref<16416xi32, #tpu.memory_space<vmem>>, vector<16xi32>,
          %shift_right_arithmetic3A = arith.constant 9 : i32
          %shift_right_arithmetic3A_100 = vector.broadcast %shift_right_arithmetic3A : i32 to vector<16xi32>
          %shift_right_arithmetic3A_101 = arith.shrsi %get3A_99, %shift_right_arithmetic3A_100 : vector<16xi32>
          %xor3A = vector.broadcast %add3A_61 : i32 to vector<16xi32>
          %xor3A_102 = arith.xori %shift_right_arithmetic3A_101, %xor3A : vector<16xi32>
          %sub3A_103 = arith.constant 1 : i32
          %sub3A_104 = vector.broadcast %sub3A_103 : i32 to vector<16xi32>
          %sub3A_105 = arith.subi %xor3A_102, %sub3A_104 : vector<16xi32>
          %shift_right_arithmetic3A_106 = arith.constant 31 : i32
          %shift_right_arithmetic3A_107 = vector.broadcast %shift_right_arithmetic3A_106 : i32 to vector<16xi32>
          %shift_right_arithmetic3A_108 = arith.shrsi %sub3A_105, %shift_right_arithmetic3A_107 : vector<16xi32>
          %and3A_109 = arith.constant 1 : i32
          %and3A_110 = vector.broadcast %and3A_109 : i32 to vector<16xi32>
          %and3A_111 = arith.andi %shift_right_arithmetic3A_108, %and3A_110 : vector<16xi32>
          %eq3A_112 = arith.constant 1 : i32
          %eq3A_113 = vector.broadcast %eq3A_112 : i32 to vector<16xi32>
          %eq3A_114 = arith.cmpi eq, %and3A_111, %eq3A_113 : vector<16xi32>
          %all_reduce_ffs3A = tpu.all_reduce %eq3A_114 {dim = 0 : i64, kind = #tpu.reduction_kind<find_first_set>} : vector<16xi1> -> vector<16xi32>
          %slice3A = vector.extract_strided_slice %all_reduce_ffs3A {offsets = [0], sizes = [1], strides = [1]} : vector<16xi32> to vector<1xi32>
          %squeeze3A = vector.extract %slice3A[0] : i32 from vector<1xi32>
          %mul3A_115 = arith.constant 16 : i32
          %mul3A_116 = arith.muli %while3A_95, %mul3A_115 : i32
          %get3A_117 = arith.index_cast %mul3A_116 : i32 to index
          %get3A_118 = tpu.vector_load %arg7[%get3A_117] {strides = array<i32>} : memref<16416xi32, #tpu.memory_space<vmem>>, vector<16xi32>,
          %while3A_119:2 = scf.while (%while3A_120 = %and3A_111, %while3A_121 = %squeeze3A) : (vector<16xi32>, i32) -> (vector<16xi32>, i32) {
            %lt3A_122 = arith.constant 16 : i32
            %lt3A_123 = arith.cmpi slt, %while3A_121, %lt3A_122 : i32
            scf.condition(%lt3A_123) %while3A_120, %while3A_121 : vector<16xi32>, i32
          } do {
          ^bb0(%while3A_120: vector<16xi32>, %while3A_121: i32):
            %broadcast_in_dim3A_122 = arith.constant 0 : i32
            %broadcast_in_dim3A_123 = vector.broadcast %broadcast_in_dim3A_122 : i32 to vector<16xi32>
            %add3A_124 = vector.broadcast %while3A_121 : i32 to vector<16xi32>
            %add3A_125 = arith.addi %broadcast_in_dim3A_123, %add3A_124 : vector<16xi32>
            %broadcast_in_dim3A_126 = vector.shape_cast %add3A_125 : vector<16xi32> to vector<16x1xi32>
            %gather3A = vector.shape_cast %broadcast_in_dim3A_126 : vector<16x1xi32> to vector<16xi32>
            %gather3A_127 = tpu.dynamic_gather %get3A_99[%gather3A] in [0] : vector<16xi32>, vector<16xi32> -> vector<16xi32>
            %slice3A_128 = vector.extract_strided_slice %gather3A_127 {offsets = [0], sizes = [1], strides = [1]} : vector<16xi32> to vector<1xi32>
            %squeeze3A_129 = vector.extract %slice3A_128[0] : i32 from vector<1xi32>
            %and3A_130 = arith.constant 511 : i32
            %and3A_131 = arith.andi %squeeze3A_129, %and3A_130 : i32
            %broadcast_in_dim3A_132 = vector.shape_cast %add3A_125 : vector<16xi32> to vector<16x1xi32>
            %gather3A_133 = vector.shape_cast %broadcast_in_dim3A_132 : vector<16x1xi32> to vector<16xi32>
            %gather3A_134 = tpu.dynamic_gather %get3A_118[%gather3A_133] in [0] : vector<16xi32>, vector<16xi32> -> vector<16xi32>
            %slice3A_135 = vector.extract_strided_slice %gather3A_134 {offsets = [0], sizes = [1], strides = [1]} : vector<16xi32> to vector<1xi32>
            %squeeze3A_136 = vector.extract %slice3A_135[0] : i32 from vector<1xi32>
            %get3A_137 = arith.constant 0 : i32
            %get3A_138 = arith.index_cast %get3A_137 : i32 to index
            %get3A_139 = memref.load %arg12[%get3A_138] : memref<2xi32, #tpu.memory_space<smem>>
            %and3A_140 = arith.constant 15 : i32
            %and3A_141 = arith.andi %get3A_139, %and3A_140 : i32
            %ge3A = arith.constant 16 : i32
            %ge3A_142 = arith.cmpi sge, %get3A_139, %ge3A : i32
            %convert_element_type3A_143 = arith.extui %ge3A_142 : i1 to i32
            %cond3A_144 = arith.constant 0 : i32
            %cond3A_145 = arith.cmpi ne, %convert_element_type3A_143, %cond3A_144 : i32
            scf.if %cond3A_145 {
              %dma_wait3A_223 = arith.constant 0 : i32
              %dma_wait3A_224 = tpu.memref_slice %arg11[%dma_wait3A_223] : memref<1024xf32, #tpu.memory_space<vmem>> -> memref<64xf32, #tpu.memory_space<vmem>>
              %dma_wait3A_225 = arith.constant 0 : i32
              %dma_wait3A_226 = tpu.memref_slice %arg4[%dma_wait3A_225] : memref<1048576xf32, #tpu.memory_space<hbm>> -> memref<64xf32, #tpu.memory_space<hbm>>
              %dma_wait3A_227 = arith.constant 0 : i32
              %dma_wait3A_228 = tpu.memref_slice %arg11[%dma_wait3A_227] : memref<1024xf32, #tpu.memory_space<vmem>> -> memref<64xf32, #tpu.memory_space<vmem>>
              %dma_wait3A_229 = arith.constant 0 : i32
              %dma_wait3A_230 = tpu.memref_slice %arg4[%dma_wait3A_229] : memref<1048576xf32, #tpu.memory_space<hbm>> -> memref<64xf32, #tpu.memory_space<hbm>>
              tpu.wait_dma2 semaphore(%arg15 : memref<!tpu.dma_semaphore, #tpu.memory_space<semaphore_mem>>) src(%dma_wait3A_230 : memref<64xf32, #tpu.memory_space<hbm>>) dst(%dma_wait3A_228 : memref<64xf32, #tpu.memory_space<vmem>>)
            } else {
            }
            %add3A_146 = arith.constant 0 : i32
            %add3A_147 = vector.broadcast %add3A_146 : i32 to vector<16xi32>
            %add3A_148 = arith.addi %iota3A, %add3A_147 : vector<16xi32>
            %broadcast_in_dim3A_149 = vector.broadcast %and3A_131 : i32 to vector<16xi32>
            %gather3A_150 = tpu.vector_load_idx %arg8[%add3A_148, %broadcast_in_dim3A_149] : memref<64x512xf32, #tpu.memory_space<vmem>>[vector<16xi32>, vector<16xi32>], vector<16xf32>,
            %mul3A_151 = arith.constant 64 : i32
            %mul3A_152 = arith.muli %and3A_141, %mul3A_151 : i32
            %add3A_153 = arith.constant 0 : i32
            %add3A_154 = arith.addi %mul3A_152, %add3A_153 : i32
            %swap3A_155 = arith.index_cast %add3A_154 : i32 to index
            %swap3A_156 = tpu.vector_load %arg11[%swap3A_155] {strides = array<i32>} : memref<1024xf32, #tpu.memory_space<vmem>>, vector<16xf32>,
            tpu.vector_store %arg11[%swap3A_155], %gather3A_150 {strides = array<i32>} : memref<1024xf32, #tpu.memory_space<vmem>>, vector<16xf32>,
            %add3A_157 = arith.constant 16 : i32
            %add3A_158 = vector.broadcast %add3A_157 : i32 to vector<16xi32>
            %add3A_159 = arith.addi %iota3A, %add3A_158 : vector<16xi32>
            %broadcast_in_dim3A_160 = vector.broadcast %and3A_131 : i32 to vector<16xi32>
            %gather3A_161 = tpu.vector_load_idx %arg8[%add3A_159, %broadcast_in_dim3A_160] : memref<64x512xf32, #tpu.memory_space<vmem>>[vector<16xi32>, vector<16xi32>], vector<16xf32>,
            %mul3A_162 = arith.constant 64 : i32
            %mul3A_163 = arith.muli %and3A_141, %mul3A_162 : i32
            %add3A_164 = arith.constant 16 : i32
            %add3A_165 = arith.addi %mul3A_163, %add3A_164 : i32
            %swap3A_166 = arith.index_cast %add3A_165 : i32 to index
            %swap3A_167 = tpu.vector_load %arg11[%swap3A_166] {strides = array<i32>} : memref<1024xf32, #tpu.memory_space<vmem>>, vector<16xf32>,
            tpu.vector_store %arg11[%swap3A_166], %gather3A_161 {strides = array<i32>} : memref<1024xf32, #tpu.memory_space<vmem>>, vector<16xf32>,
            %add3A_168 = arith.constant 32 : i32
            %add3A_169 = vector.broadcast %add3A_168 : i32 to vector<16xi32>
            %add3A_170 = arith.addi %iota3A, %add3A_169 : vector<16xi32>
            %broadcast_in_dim3A_171 = vector.broadcast %and3A_131 : i32 to vector<16xi32>
            %gather3A_172 = tpu.vector_load_idx %arg8[%add3A_170, %broadcast_in_dim3A_171] : memref<64x512xf32, #tpu.memory_space<vmem>>[vector<16xi32>, vector<16xi32>], vector<16xf32>,
            %mul3A_173 = arith.constant 64 : i32
            %mul3A_174 = arith.muli %and3A_141, %mul3A_173 : i32
            %add3A_175 = arith.constant 32 : i32
            %add3A_176 = arith.addi %mul3A_174, %add3A_175 : i32
            %swap3A_177 = arith.index_cast %add3A_176 : i32 to index
            %swap3A_178 = tpu.vector_load %arg11[%swap3A_177] {strides = array<i32>} : memref<1024xf32, #tpu.memory_space<vmem>>, vector<16xf32>,
            tpu.vector_store %arg11[%swap3A_177], %gather3A_172 {strides = array<i32>} : memref<1024xf32, #tpu.memory_space<vmem>>, vector<16xf32>,
            %add3A_179 = arith.constant 48 : i32
            %add3A_180 = vector.broadcast %add3A_179 : i32 to vector<16xi32>
            %add3A_181 = arith.addi %iota3A, %add3A_180 : vector<16xi32>
            %broadcast_in_dim3A_182 = vector.broadcast %and3A_131 : i32 to vector<16xi32>
            %gather3A_183 = tpu.vector_load_idx %arg8[%add3A_181, %broadcast_in_dim3A_182] : memref<64x512xf32, #tpu.memory_space<vmem>>[vector<16xi32>, vector<16xi32>], vector<16xf32>,
            %mul3A_184 = arith.constant 64 : i32
            %mul3A_185 = arith.muli %and3A_141, %mul3A_184 : i32
            %add3A_186 = arith.constant 48 : i32
            %add3A_187 = arith.addi %mul3A_185, %add3A_186 : i32
            %swap3A_188 = arith.index_cast %add3A_187 : i32 to index
            %swap3A_189 = tpu.vector_load %arg11[%swap3A_188] {strides = array<i32>} : memref<1024xf32, #tpu.memory_space<vmem>>, vector<16xf32>,
            tpu.vector_store %arg11[%swap3A_188], %gather3A_183 {strides = array<i32>} : memref<1024xf32, #tpu.memory_space<vmem>>, vector<16xf32>,
            %mul3A_190 = arith.constant 64 : i32
            %mul3A_191 = arith.muli %and3A_141, %mul3A_190 : i32
            %mul3A_192 = arith.constant 64 : i32
            %mul3A_193 = arith.muli %squeeze3A_136, %mul3A_192 : i32
            %multiple_of3A = tpu.assume_multiple %mul3A_193, 64 : i32
            %dma_start3A = tpu.memref_slice %arg11[%mul3A_191] : memref<1024xf32, #tpu.memory_space<vmem>> -> memref<64xf32, #tpu.memory_space<vmem>>
            %dma_start3A_194 = tpu.memref_slice %arg4[%multiple_of3A] : memref<1048576xf32, #tpu.memory_space<hbm>> -> memref<64xf32, #tpu.memory_space<hbm>>
            %dma_start3A_195 = tpu.memref_slice %arg4[%multiple_of3A] : memref<1048576xf32, #tpu.memory_space<hbm>> -> memref<64xf32, #tpu.memory_space<hbm>>
            %dma_start3A_196 = tpu.memref_slice %arg11[%mul3A_191] : memref<1024xf32, #tpu.memory_space<vmem>> -> memref<64xf32, #tpu.memory_space<vmem>>
            tpu.enqueue_dma source(%dma_start3A_196 : memref<64xf32, #tpu.memory_space<vmem>>) target(%dma_start3A_195 : memref<64xf32, #tpu.memory_space<hbm>>) target_semaphore(%arg15 : memref<!tpu.dma_semaphore, #tpu.memory_space<semaphore_mem>>)
            %add3A_197 = arith.constant 1 : i32
            %add3A_198 = arith.addi %get3A_139, %add3A_197 : i32
            %swap3A_199 = arith.constant 0 : i32
            %swap3A_200 = arith.index_cast %swap3A_199 : i32 to index
            %swap3A_201 = memref.load %arg12[%swap3A_200] : memref<2xi32, #tpu.memory_space<smem>>
            memref.store %add3A_198, %arg12[%swap3A_200] : memref<2xi32, #tpu.memory_space<smem>>
            %xor3A_202 = vector.broadcast %while3A_121 : i32 to vector<16xi32>
            %xor3A_203 = arith.xori %iota3A, %xor3A_202 : vector<16xi32>
            %sub3A_204 = arith.constant 1 : i32
            %sub3A_205 = vector.broadcast %sub3A_204 : i32 to vector<16xi32>
            %sub3A_206 = arith.subi %xor3A_203, %sub3A_205 : vector<16xi32>
            %shift_right_arithmetic3A_207 = arith.constant 31 : i32
            %shift_right_arithmetic3A_208 = vector.broadcast %shift_right_arithmetic3A_207 : i32 to vector<16xi32>
            %shift_right_arithmetic3A_209 = arith.shrsi %sub3A_206, %shift_right_arithmetic3A_208 : vector<16xi32>
            %and3A_210 = arith.constant 1 : i32
            %and3A_211 = vector.broadcast %and3A_210 : i32 to vector<16xi32>
            %and3A_212 = arith.andi %shift_right_arithmetic3A_209, %and3A_211 : vector<16xi32>
            %sub3A_213 = arith.constant 1 : i32
            %sub3A_214 = vector.broadcast %sub3A_213 : i32 to vector<16xi32>
            %sub3A_215 = arith.subi %sub3A_214, %and3A_212 : vector<16xi32>
            %mul3A_216 = arith.muli %while3A_120, %sub3A_215 : vector<16xi32>
            %eq3A_217 = arith.constant 1 : i32
            %eq3A_218 = vector.broadcast %eq3A_217 : i32 to vector<16xi32>
            %eq3A_219 = arith.cmpi eq, %mul3A_216, %eq3A_218 : vector<16xi32>
            %all_reduce_ffs3A_220 = tpu.all_reduce %eq3A_219 {dim = 0 : i64, kind = #tpu.reduction_kind<find_first_set>} : vector<16xi1> -> vector<16xi32>
            %slice3A_221 = vector.extract_strided_slice %all_reduce_ffs3A_220 {offsets = [0], sizes = [1], strides = [1]} : vector<16xi32> to vector<1xi32>
            %squeeze3A_222 = vector.extract %slice3A_221[0] : i32 from vector<1xi32>
            scf.yield %mul3A_216, %squeeze3A_222 : vector<16xi32>, i32
          }
        }
        %while3A_94 = arith.constant 1 : i32
        scf.for %while3A_95 = %while3A_92 to %while3A_88 step %while3A_94  : i32 {
          %mul3A_96 = arith.constant 16 : i32
          %mul3A_97 = arith.muli %while3A_95, %mul3A_96 : i32
          %get3A_98 = arith.index_cast %mul3A_97 : i32 to index
          %get3A_99 = tpu.vector_load %arg6[%get3A_98] {strides = array<i32>} : memref<16416xi32, #tpu.memory_space<vmem>>, vector<16xi32>,
          %shift_right_arithmetic3A = arith.constant 9 : i32
          %shift_right_arithmetic3A_100 = vector.broadcast %shift_right_arithmetic3A : i32 to vector<16xi32>
          %shift_right_arithmetic3A_101 = arith.shrsi %get3A_99, %shift_right_arithmetic3A_100 : vector<16xi32>
          %xor3A = vector.broadcast %add3A_61 : i32 to vector<16xi32>
          %xor3A_102 = arith.xori %shift_right_arithmetic3A_101, %xor3A : vector<16xi32>
          %sub3A_103 = arith.constant 1 : i32
          %sub3A_104 = vector.broadcast %sub3A_103 : i32 to vector<16xi32>
          %sub3A_105 = arith.subi %xor3A_102, %sub3A_104 : vector<16xi32>
          %shift_right_arithmetic3A_106 = arith.constant 31 : i32
          %shift_right_arithmetic3A_107 = vector.broadcast %shift_right_arithmetic3A_106 : i32 to vector<16xi32>
          %shift_right_arithmetic3A_108 = arith.shrsi %sub3A_105, %shift_right_arithmetic3A_107 : vector<16xi32>
          %and3A_109 = arith.constant 1 : i32
          %and3A_110 = vector.broadcast %and3A_109 : i32 to vector<16xi32>
          %and3A_111 = arith.andi %shift_right_arithmetic3A_108, %and3A_110 : vector<16xi32>
          %eq3A_112 = arith.constant 1 : i32
          %eq3A_113 = vector.broadcast %eq3A_112 : i32 to vector<16xi32>
          %eq3A_114 = arith.cmpi eq, %and3A_111, %eq3A_113 : vector<16xi32>
          %all_reduce_ffs3A = tpu.all_reduce %eq3A_114 {dim = 0 : i64, kind = #tpu.reduction_kind<find_first_set>} : vector<16xi1> -> vector<16xi32>
          %slice3A = vector.extract_strided_slice %all_reduce_ffs3A {offsets = [0], sizes = [1], strides = [1]} : vector<16xi32> to vector<1xi32>
          %squeeze3A = vector.extract %slice3A[0] : i32 from vector<1xi32>
          %mul3A_115 = arith.constant 16 : i32
          %mul3A_116 = arith.muli %while3A_95, %mul3A_115 : i32
          %get3A_117 = arith.index_cast %mul3A_116 : i32 to index
          %get3A_118 = tpu.vector_load %arg7[%get3A_117] {strides = array<i32>} : memref<16416xi32, #tpu.memory_space<vmem>>, vector<16xi32>,
          %while3A_119:2 = scf.while (%while3A_120 = %and3A_111, %while3A_121 = %squeeze3A) : (vector<16xi32>, i32) -> (vector<16xi32>, i32) {
            %lt3A_122 = arith.constant 16 : i32
            %lt3A_123 = arith.cmpi slt, %while3A_121, %lt3A_122 : i32
            scf.condition(%lt3A_123) %while3A_120, %while3A_121 : vector<16xi32>, i32
          } do {
          ^bb0(%while3A_120: vector<16xi32>, %while3A_121: i32):
            %broadcast_in_dim3A_122 = arith.constant 0 : i32
            %broadcast_in_dim3A_123 = vector.broadcast %broadcast_in_dim3A_122 : i32 to vector<16xi32>
            %add3A_124 = vector.broadcast %while3A_121 : i32 to vector<16xi32>
            %add3A_125 = arith.addi %broadcast_in_dim3A_123, %add3A_124 : vector<16xi32>
            %broadcast_in_dim3A_126 = vector.shape_cast %add3A_125 : vector<16xi32> to vector<16x1xi32>
            %gather3A = vector.shape_cast %broadcast_in_dim3A_126 : vector<16x1xi32> to vector<16xi32>
            %gather3A_127 = tpu.dynamic_gather %get3A_99[%gather3A] in [0] : vector<16xi32>, vector<16xi32> -> vector<16xi32>
            %slice3A_128 = vector.extract_strided_slice %gather3A_127 {offsets = [0], sizes = [1], strides = [1]} : vector<16xi32> to vector<1xi32>
            %squeeze3A_129 = vector.extract %slice3A_128[0] : i32 from vector<1xi32>
            %and3A_130 = arith.constant 511 : i32
            %and3A_131 = arith.andi %squeeze3A_129, %and3A_130 : i32
            %broadcast_in_dim3A_132 = vector.shape_cast %add3A_125 : vector<16xi32> to vector<16x1xi32>
            %gather3A_133 = vector.shape_cast %broadcast_in_dim3A_132 : vector<16x1xi32> to vector<16xi32>
            %gather3A_134 = tpu.dynamic_gather %get3A_118[%gather3A_133] in [0] : vector<16xi32>, vector<16xi32> -> vector<16xi32>
            %slice3A_135 = vector.extract_strided_slice %gather3A_134 {offsets = [0], sizes = [1], strides = [1]} : vector<16xi32> to vector<1xi32>
            %squeeze3A_136 = vector.extract %slice3A_135[0] : i32 from vector<1xi32>
            %get3A_137 = arith.constant 0 : i32
            %get3A_138 = arith.index_cast %get3A_137 : i32 to index
            %get3A_139 = memref.load %arg12[%get3A_138] : memref<2xi32, #tpu.memory_space<smem>>
            %and3A_140 = arith.constant 15 : i32
            %and3A_141 = arith.andi %get3A_139, %and3A_140 : i32
            %ge3A = arith.constant 16 : i32
            %ge3A_142 = arith.cmpi sge, %get3A_139, %ge3A : i32
            %convert_element_type3A_143 = arith.extui %ge3A_142 : i1 to i32
            %cond3A_144 = arith.constant 0 : i32
            %cond3A_145 = arith.cmpi ne, %convert_element_type3A_143, %cond3A_144 : i32
            scf.if %cond3A_145 {
              %dma_wait3A_223 = arith.constant 0 : i32
              %dma_wait3A_224 = tpu.memref_slice %arg11[%dma_wait3A_223] : memref<1024xf32, #tpu.memory_space<vmem>> -> memref<64xf32, #tpu.memory_space<vmem>>
              %dma_wait3A_225 = arith.constant 0 : i32
              %dma_wait3A_226 = tpu.memref_slice %arg4[%dma_wait3A_225] : memref<1048576xf32, #tpu.memory_space<hbm>> -> memref<64xf32, #tpu.memory_space<hbm>>
              %dma_wait3A_227 = arith.constant 0 : i32
              %dma_wait3A_228 = tpu.memref_slice %arg11[%dma_wait3A_227] : memref<1024xf32, #tpu.memory_space<vmem>> -> memref<64xf32, #tpu.memory_space<vmem>>
              %dma_wait3A_229 = arith.constant 0 : i32
              %dma_wait3A_230 = tpu.memref_slice %arg4[%dma_wait3A_229] : memref<1048576xf32, #tpu.memory_space<hbm>> -> memref<64xf32, #tpu.memory_space<hbm>>
              tpu.wait_dma2 semaphore(%arg15 : memref<!tpu.dma_semaphore, #tpu.memory_space<semaphore_mem>>) src(%dma_wait3A_230 : memref<64xf32, #tpu.memory_space<hbm>>) dst(%dma_wait3A_228 : memref<64xf32, #tpu.memory_space<vmem>>)
            } else {
            }
            %add3A_146 = arith.constant 0 : i32
            %add3A_147 = vector.broadcast %add3A_146 : i32 to vector<16xi32>
            %add3A_148 = arith.addi %iota3A, %add3A_147 : vector<16xi32>
            %broadcast_in_dim3A_149 = vector.broadcast %and3A_131 : i32 to vector<16xi32>
            %gather3A_150 = tpu.vector_load_idx %arg8[%add3A_148, %broadcast_in_dim3A_149] : memref<64x512xf32, #tpu.memory_space<vmem>>[vector<16xi32>, vector<16xi32>], vector<16xf32>,
            %mul3A_151 = arith.constant 64 : i32
            %mul3A_152 = arith.muli %and3A_141, %mul3A_151 : i32
            %add3A_153 = arith.constant 0 : i32
            %add3A_154 = arith.addi %mul3A_152, %add3A_153 : i32
            %swap3A_155 = arith.index_cast %add3A_154 : i32 to index
            %swap3A_156 = tpu.vector_load %arg11[%swap3A_155] {strides = array<i32>} : memref<1024xf32, #tpu.memory_space<vmem>>, vector<16xf32>,
            tpu.vector_store %arg11[%swap3A_155], %gather3A_150 {strides = array<i32>} : memref<1024xf32, #tpu.memory_space<vmem>>, vector<16xf32>,
            %add3A_157 = arith.constant 16 : i32
            %add3A_158 = vector.broadcast %add3A_157 : i32 to vector<16xi32>
            %add3A_159 = arith.addi %iota3A, %add3A_158 : vector<16xi32>
            %broadcast_in_dim3A_160 = vector.broadcast %and3A_131 : i32 to vector<16xi32>
            %gather3A_161 = tpu.vector_load_idx %arg8[%add3A_159, %broadcast_in_dim3A_160] : memref<64x512xf32, #tpu.memory_space<vmem>>[vector<16xi32>, vector<16xi32>], vector<16xf32>,
            %mul3A_162 = arith.constant 64 : i32
            %mul3A_163 = arith.muli %and3A_141, %mul3A_162 : i32
            %add3A_164 = arith.constant 16 : i32
            %add3A_165 = arith.addi %mul3A_163, %add3A_164 : i32
            %swap3A_166 = arith.index_cast %add3A_165 : i32 to index
            %swap3A_167 = tpu.vector_load %arg11[%swap3A_166] {strides = array<i32>} : memref<1024xf32, #tpu.memory_space<vmem>>, vector<16xf32>,
            tpu.vector_store %arg11[%swap3A_166], %gather3A_161 {strides = array<i32>} : memref<1024xf32, #tpu.memory_space<vmem>>, vector<16xf32>,
            %add3A_168 = arith.constant 32 : i32
            %add3A_169 = vector.broadcast %add3A_168 : i32 to vector<16xi32>
            %add3A_170 = arith.addi %iota3A, %add3A_169 : vector<16xi32>
            %broadcast_in_dim3A_171 = vector.broadcast %and3A_131 : i32 to vector<16xi32>
            %gather3A_172 = tpu.vector_load_idx %arg8[%add3A_170, %broadcast_in_dim3A_171] : memref<64x512xf32, #tpu.memory_space<vmem>>[vector<16xi32>, vector<16xi32>], vector<16xf32>,
            %mul3A_173 = arith.constant 64 : i32
            %mul3A_174 = arith.muli %and3A_141, %mul3A_173 : i32
            %add3A_175 = arith.constant 32 : i32
            %add3A_176 = arith.addi %mul3A_174, %add3A_175 : i32
            %swap3A_177 = arith.index_cast %add3A_176 : i32 to index
            %swap3A_178 = tpu.vector_load %arg11[%swap3A_177] {strides = array<i32>} : memref<1024xf32, #tpu.memory_space<vmem>>, vector<16xf32>,
            tpu.vector_store %arg11[%swap3A_177], %gather3A_172 {strides = array<i32>} : memref<1024xf32, #tpu.memory_space<vmem>>, vector<16xf32>,
            %add3A_179 = arith.constant 48 : i32
            %add3A_180 = vector.broadcast %add3A_179 : i32 to vector<16xi32>
            %add3A_181 = arith.addi %iota3A, %add3A_180 : vector<16xi32>
            %broadcast_in_dim3A_182 = vector.broadcast %and3A_131 : i32 to vector<16xi32>
            %gather3A_183 = tpu.vector_load_idx %arg8[%add3A_181, %broadcast_in_dim3A_182] : memref<64x512xf32, #tpu.memory_space<vmem>>[vector<16xi32>, vector<16xi32>], vector<16xf32>,
            %mul3A_184 = arith.constant 64 : i32
            %mul3A_185 = arith.muli %and3A_141, %mul3A_184 : i32
            %add3A_186 = arith.constant 48 : i32
            %add3A_187 = arith.addi %mul3A_185, %add3A_186 : i32
            %swap3A_188 = arith.index_cast %add3A_187 : i32 to index
            %swap3A_189 = tpu.vector_load %arg11[%swap3A_188] {strides = array<i32>} : memref<1024xf32, #tpu.memory_space<vmem>>, vector<16xf32>,
            tpu.vector_store %arg11[%swap3A_188], %gather3A_183 {strides = array<i32>} : memref<1024xf32, #tpu.memory_space<vmem>>, vector<16xf32>,
            %mul3A_190 = arith.constant 64 : i32
            %mul3A_191 = arith.muli %and3A_141, %mul3A_190 : i32
            %mul3A_192 = arith.constant 64 : i32
            %mul3A_193 = arith.muli %squeeze3A_136, %mul3A_192 : i32
            %multiple_of3A = tpu.assume_multiple %mul3A_193, 64 : i32
            %dma_start3A = tpu.memref_slice %arg11[%mul3A_191] : memref<1024xf32, #tpu.memory_space<vmem>> -> memref<64xf32, #tpu.memory_space<vmem>>
            %dma_start3A_194 = tpu.memref_slice %arg4[%multiple_of3A] : memref<1048576xf32, #tpu.memory_space<hbm>> -> memref<64xf32, #tpu.memory_space<hbm>>
            %dma_start3A_195 = tpu.memref_slice %arg4[%multiple_of3A] : memref<1048576xf32, #tpu.memory_space<hbm>> -> memref<64xf32, #tpu.memory_space<hbm>>
            %dma_start3A_196 = tpu.memref_slice %arg11[%mul3A_191] : memref<1024xf32, #tpu.memory_space<vmem>> -> memref<64xf32, #tpu.memory_space<vmem>>
            tpu.enqueue_dma source(%dma_start3A_196 : memref<64xf32, #tpu.memory_space<vmem>>) target(%dma_start3A_195 : memref<64xf32, #tpu.memory_space<hbm>>) target_semaphore(%arg15 : memref<!tpu.dma_semaphore, #tpu.memory_space<semaphore_mem>>)
            %add3A_197 = arith.constant 1 : i32
            %add3A_198 = arith.addi %get3A_139, %add3A_197 : i32
            %swap3A_199 = arith.constant 0 : i32
            %swap3A_200 = arith.index_cast %swap3A_199 : i32 to index
            %swap3A_201 = memref.load %arg12[%swap3A_200] : memref<2xi32, #tpu.memory_space<smem>>
            memref.store %add3A_198, %arg12[%swap3A_200] : memref<2xi32, #tpu.memory_space<smem>>
            %xor3A_202 = vector.broadcast %while3A_121 : i32 to vector<16xi32>
            %xor3A_203 = arith.xori %iota3A, %xor3A_202 : vector<16xi32>
            %sub3A_204 = arith.constant 1 : i32
            %sub3A_205 = vector.broadcast %sub3A_204 : i32 to vector<16xi32>
            %sub3A_206 = arith.subi %xor3A_203, %sub3A_205 : vector<16xi32>
            %shift_right_arithmetic3A_207 = arith.constant 31 : i32
            %shift_right_arithmetic3A_208 = vector.broadcast %shift_right_arithmetic3A_207 : i32 to vector<16xi32>
            %shift_right_arithmetic3A_209 = arith.shrsi %sub3A_206, %shift_right_arithmetic3A_208 : vector<16xi32>
            %and3A_210 = arith.constant 1 : i32
            %and3A_211 = vector.broadcast %and3A_210 : i32 to vector<16xi32>
            %and3A_212 = arith.andi %shift_right_arithmetic3A_209, %and3A_211 : vector<16xi32>
            %sub3A_213 = arith.constant 1 : i32
            %sub3A_214 = vector.broadcast %sub3A_213 : i32 to vector<16xi32>
            %sub3A_215 = arith.subi %sub3A_214, %and3A_212 : vector<16xi32>
            %mul3A_216 = arith.muli %while3A_120, %sub3A_215 : vector<16xi32>
            %eq3A_217 = arith.constant 1 : i32
            %eq3A_218 = vector.broadcast %eq3A_217 : i32 to vector<16xi32>
            %eq3A_219 = arith.cmpi eq, %mul3A_216, %eq3A_218 : vector<16xi32>
            %all_reduce_ffs3A_220 = tpu.all_reduce %eq3A_219 {dim = 0 : i64, kind = #tpu.reduction_kind<find_first_set>} : vector<16xi1> -> vector<16xi32>
            %slice3A_221 = vector.extract_strided_slice %all_reduce_ffs3A_220 {offsets = [0], sizes = [1], strides = [1]} : vector<16xi32> to vector<1xi32>
            %squeeze3A_222 = vector.extract %slice3A_221[0] : i32 from vector<1xi32>
            scf.yield %mul3A_216, %squeeze3A_222 : vector<16xi32>, i32
          }
        }
      } else {
      }
      %lt3A_71 = arith.constant 1953 : i32
      %lt3A_72 = arith.cmpi slt, %add3A_63, %lt3A_71 : i32
      %convert_element_type3A_73 = arith.extui %lt3A_72 : i1 to i32
      %cond3A_74 = arith.constant 0 : i32
      %cond3A_75 = arith.cmpi ne, %convert_element_type3A_73, %cond3A_74 : i32
      scf.if %cond3A_75 {
        %dma_wait3A = arith.constant 0 : i32
        %dma_wait3A_76 = arith.constant 0 : i32
        %dma_wait3A_77 = tpu.memref_slice %arg3[%dma_wait3A, %dma_wait3A_76] : memref<64x1000000xf32, #tpu.memory_space<hbm>> -> memref<64x512xf32, #tpu.memory_space<hbm>>
        %dma_wait3A_78 = arith.constant 0 : i32
        %dma_wait3A_79 = arith.constant 0 : i32
        %dma_wait3A_80 = tpu.memref_slice %arg3[%dma_wait3A_78, %dma_wait3A_79] : memref<64x1000000xf32, #tpu.memory_space<hbm>> -> memref<64x512xf32, #tpu.memory_space<hbm>>
        tpu.wait_dma2 semaphore(%arg14 : memref<!tpu.dma_semaphore, #tpu.memory_space<semaphore_mem>>) src(%dma_wait3A_80 : memref<64x512xf32, #tpu.memory_space<hbm>>) dst(%arg9 : memref<64x512xf32, #tpu.memory_space<vmem>>)
        %lt3A_81 = arith.constant 1953 : i32
        %lt3A_82 = arith.cmpi slt, %add3A_65, %lt3A_81 : i32
        %convert_element_type3A_83 = arith.extui %lt3A_82 : i1 to i32
        %cond3A_84 = arith.constant 0 : i32
        %cond3A_85 = arith.cmpi ne, %convert_element_type3A_83, %cond3A_84 : i32
        scf.if %cond3A_85 {
          %mul3A_95 = arith.constant 512 : i32
          %mul3A_96 = arith.muli %add3A_65, %mul3A_95 : i32
          %multiple_of3A = tpu.assume_multiple %mul3A_96, 128 : i32
          %dma_start3A = arith.constant 0 : i32
          %dma_start3A_97 = tpu.memref_slice %arg3[%dma_start3A, %multiple_of3A] : memref<64x1000000xf32, #tpu.memory_space<hbm>> -> memref<64x512xf32, #tpu.memory_space<hbm>>
          %dma_start3A_98 = arith.constant 0 : i32
          %dma_start3A_99 = tpu.memref_slice %arg3[%dma_start3A_98, %multiple_of3A] : memref<64x1000000xf32, #tpu.memory_space<hbm>> -> memref<64x512xf32, #tpu.memory_space<hbm>>
          tpu.enqueue_dma source(%dma_start3A_99 : memref<64x512xf32, #tpu.memory_space<hbm>>) target(%arg8 : memref<64x512xf32, #tpu.memory_space<vmem>>) target_semaphore(%arg13 : memref<!tpu.dma_semaphore, #tpu.memory_space<semaphore_mem>>)
        } else {
        }
        %while3A = arith.constant 0 : i32
        %while3A_86 = arith.constant 0 : i32
        %while3A_87 = arith.subi %select_n3A, %while3A_86 : i32
        %while3A_88 = arith.addi %while3A_86, %while3A_87 : i32
        %while3A_89 = arith.constant 1 : i32
        %while3A_90 = arith.divsi %while3A_87, %while3A_89 : i32
        %while3A_91 = arith.muli %while3A_90, %while3A_89 : i32
        %while3A_92 = arith.addi %while3A_86, %while3A_91 : i32
        %while3A_93 = arith.constant 1 : i32
        scf.for %while3A_95 = %while3A_86 to %while3A_92 step %while3A_93  : i32 {
          %mul3A_96 = arith.constant 16 : i32
          %mul3A_97 = arith.muli %while3A_95, %mul3A_96 : i32
          %get3A_98 = arith.index_cast %mul3A_97 : i32 to index
          %get3A_99 = tpu.vector_load %arg6[%get3A_98] {strides = array<i32>} : memref<16416xi32, #tpu.memory_space<vmem>>, vector<16xi32>,
          %shift_right_arithmetic3A = arith.constant 9 : i32
          %shift_right_arithmetic3A_100 = vector.broadcast %shift_right_arithmetic3A : i32 to vector<16xi32>
          %shift_right_arithmetic3A_101 = arith.shrsi %get3A_99, %shift_right_arithmetic3A_100 : vector<16xi32>
          %xor3A = vector.broadcast %add3A_63 : i32 to vector<16xi32>
          %xor3A_102 = arith.xori %shift_right_arithmetic3A_101, %xor3A : vector<16xi32>
          %sub3A_103 = arith.constant 1 : i32
          %sub3A_104 = vector.broadcast %sub3A_103 : i32 to vector<16xi32>
          %sub3A_105 = arith.subi %xor3A_102, %sub3A_104 : vector<16xi32>
          %shift_right_arithmetic3A_106 = arith.constant 31 : i32
          %shift_right_arithmetic3A_107 = vector.broadcast %shift_right_arithmetic3A_106 : i32 to vector<16xi32>
          %shift_right_arithmetic3A_108 = arith.shrsi %sub3A_105, %shift_right_arithmetic3A_107 : vector<16xi32>
          %and3A_109 = arith.constant 1 : i32
          %and3A_110 = vector.broadcast %and3A_109 : i32 to vector<16xi32>
          %and3A_111 = arith.andi %shift_right_arithmetic3A_108, %and3A_110 : vector<16xi32>
          %eq3A_112 = arith.constant 1 : i32
          %eq3A_113 = vector.broadcast %eq3A_112 : i32 to vector<16xi32>
          %eq3A_114 = arith.cmpi eq, %and3A_111, %eq3A_113 : vector<16xi32>
          %all_reduce_ffs3A = tpu.all_reduce %eq3A_114 {dim = 0 : i64, kind = #tpu.reduction_kind<find_first_set>} : vector<16xi1> -> vector<16xi32>
          %slice3A = vector.extract_strided_slice %all_reduce_ffs3A {offsets = [0], sizes = [1], strides = [1]} : vector<16xi32> to vector<1xi32>
          %squeeze3A = vector.extract %slice3A[0] : i32 from vector<1xi32>
          %mul3A_115 = arith.constant 16 : i32
          %mul3A_116 = arith.muli %while3A_95, %mul3A_115 : i32
          %get3A_117 = arith.index_cast %mul3A_116 : i32 to index
          %get3A_118 = tpu.vector_load %arg7[%get3A_117] {strides = array<i32>} : memref<16416xi32, #tpu.memory_space<vmem>>, vector<16xi32>,
          %while3A_119:2 = scf.while (%while3A_120 = %and3A_111, %while3A_121 = %squeeze3A) : (vector<16xi32>, i32) -> (vector<16xi32>, i32) {
            %lt3A_122 = arith.constant 16 : i32
            %lt3A_123 = arith.cmpi slt, %while3A_121, %lt3A_122 : i32
            scf.condition(%lt3A_123) %while3A_120, %while3A_121 : vector<16xi32>, i32
          } do {
          ^bb0(%while3A_120: vector<16xi32>, %while3A_121: i32):
            %broadcast_in_dim3A_122 = arith.constant 0 : i32
            %broadcast_in_dim3A_123 = vector.broadcast %broadcast_in_dim3A_122 : i32 to vector<16xi32>
            %add3A_124 = vector.broadcast %while3A_121 : i32 to vector<16xi32>
            %add3A_125 = arith.addi %broadcast_in_dim3A_123, %add3A_124 : vector<16xi32>
            %broadcast_in_dim3A_126 = vector.shape_cast %add3A_125 : vector<16xi32> to vector<16x1xi32>
            %gather3A = vector.shape_cast %broadcast_in_dim3A_126 : vector<16x1xi32> to vector<16xi32>
            %gather3A_127 = tpu.dynamic_gather %get3A_99[%gather3A] in [0] : vector<16xi32>, vector<16xi32> -> vector<16xi32>
            %slice3A_128 = vector.extract_strided_slice %gather3A_127 {offsets = [0], sizes = [1], strides = [1]} : vector<16xi32> to vector<1xi32>
            %squeeze3A_129 = vector.extract %slice3A_128[0] : i32 from vector<1xi32>
            %and3A_130 = arith.constant 511 : i32
            %and3A_131 = arith.andi %squeeze3A_129, %and3A_130 : i32
            %broadcast_in_dim3A_132 = vector.shape_cast %add3A_125 : vector<16xi32> to vector<16x1xi32>
            %gather3A_133 = vector.shape_cast %broadcast_in_dim3A_132 : vector<16x1xi32> to vector<16xi32>
            %gather3A_134 = tpu.dynamic_gather %get3A_118[%gather3A_133] in [0] : vector<16xi32>, vector<16xi32> -> vector<16xi32>
            %slice3A_135 = vector.extract_strided_slice %gather3A_134 {offsets = [0], sizes = [1], strides = [1]} : vector<16xi32> to vector<1xi32>
            %squeeze3A_136 = vector.extract %slice3A_135[0] : i32 from vector<1xi32>
            %get3A_137 = arith.constant 0 : i32
            %get3A_138 = arith.index_cast %get3A_137 : i32 to index
            %get3A_139 = memref.load %arg12[%get3A_138] : memref<2xi32, #tpu.memory_space<smem>>
            %and3A_140 = arith.constant 15 : i32
            %and3A_141 = arith.andi %get3A_139, %and3A_140 : i32
            %ge3A = arith.constant 16 : i32
            %ge3A_142 = arith.cmpi sge, %get3A_139, %ge3A : i32
            %convert_element_type3A_143 = arith.extui %ge3A_142 : i1 to i32
            %cond3A_144 = arith.constant 0 : i32
            %cond3A_145 = arith.cmpi ne, %convert_element_type3A_143, %cond3A_144 : i32
            scf.if %cond3A_145 {
              %dma_wait3A_223 = arith.constant 0 : i32
              %dma_wait3A_224 = tpu.memref_slice %arg11[%dma_wait3A_223] : memref<1024xf32, #tpu.memory_space<vmem>> -> memref<64xf32, #tpu.memory_space<vmem>>
              %dma_wait3A_225 = arith.constant 0 : i32
              %dma_wait3A_226 = tpu.memref_slice %arg4[%dma_wait3A_225] : memref<1048576xf32, #tpu.memory_space<hbm>> -> memref<64xf32, #tpu.memory_space<hbm>>
              %dma_wait3A_227 = arith.constant 0 : i32
              %dma_wait3A_228 = tpu.memref_slice %arg11[%dma_wait3A_227] : memref<1024xf32, #tpu.memory_space<vmem>> -> memref<64xf32, #tpu.memory_space<vmem>>
              %dma_wait3A_229 = arith.constant 0 : i32
              %dma_wait3A_230 = tpu.memref_slice %arg4[%dma_wait3A_229] : memref<1048576xf32, #tpu.memory_space<hbm>> -> memref<64xf32, #tpu.memory_space<hbm>>
              tpu.wait_dma2 semaphore(%arg15 : memref<!tpu.dma_semaphore, #tpu.memory_space<semaphore_mem>>) src(%dma_wait3A_230 : memref<64xf32, #tpu.memory_space<hbm>>) dst(%dma_wait3A_228 : memref<64xf32, #tpu.memory_space<vmem>>)
            } else {
            }
            %add3A_146 = arith.constant 0 : i32
            %add3A_147 = vector.broadcast %add3A_146 : i32 to vector<16xi32>
            %add3A_148 = arith.addi %iota3A, %add3A_147 : vector<16xi32>
            %broadcast_in_dim3A_149 = vector.broadcast %and3A_131 : i32 to vector<16xi32>
            %gather3A_150 = tpu.vector_load_idx %arg9[%add3A_148, %broadcast_in_dim3A_149] : memref<64x512xf32, #tpu.memory_space<vmem>>[vector<16xi32>, vector<16xi32>], vector<16xf32>,
            %mul3A_151 = arith.constant 64 : i32
            %mul3A_152 = arith.muli %and3A_141, %mul3A_151 : i32
            %add3A_153 = arith.constant 0 : i32
            %add3A_154 = arith.addi %mul3A_152, %add3A_153 : i32
            %swap3A_155 = arith.index_cast %add3A_154 : i32 to index
            %swap3A_156 = tpu.vector_load %arg11[%swap3A_155] {strides = array<i32>} : memref<1024xf32, #tpu.memory_space<vmem>>, vector<16xf32>,
            tpu.vector_store %arg11[%swap3A_155], %gather3A_150 {strides = array<i32>} : memref<1024xf32, #tpu.memory_space<vmem>>, vector<16xf32>,
            %add3A_157 = arith.constant 16 : i32
            %add3A_158 = vector.broadcast %add3A_157 : i32 to vector<16xi32>
            %add3A_159 = arith.addi %iota3A, %add3A_158 : vector<16xi32>
            %broadcast_in_dim3A_160 = vector.broadcast %and3A_131 : i32 to vector<16xi32>
            %gather3A_161 = tpu.vector_load_idx %arg9[%add3A_159, %broadcast_in_dim3A_160] : memref<64x512xf32, #tpu.memory_space<vmem>>[vector<16xi32>, vector<16xi32>], vector<16xf32>,
            %mul3A_162 = arith.constant 64 : i32
            %mul3A_163 = arith.muli %and3A_141, %mul3A_162 : i32
            %add3A_164 = arith.constant 16 : i32
            %add3A_165 = arith.addi %mul3A_163, %add3A_164 : i32
            %swap3A_166 = arith.index_cast %add3A_165 : i32 to index
            %swap3A_167 = tpu.vector_load %arg11[%swap3A_166] {strides = array<i32>} : memref<1024xf32, #tpu.memory_space<vmem>>, vector<16xf32>,
            tpu.vector_store %arg11[%swap3A_166], %gather3A_161 {strides = array<i32>} : memref<1024xf32, #tpu.memory_space<vmem>>, vector<16xf32>,
            %add3A_168 = arith.constant 32 : i32
            %add3A_169 = vector.broadcast %add3A_168 : i32 to vector<16xi32>
            %add3A_170 = arith.addi %iota3A, %add3A_169 : vector<16xi32>
            %broadcast_in_dim3A_171 = vector.broadcast %and3A_131 : i32 to vector<16xi32>
            %gather3A_172 = tpu.vector_load_idx %arg9[%add3A_170, %broadcast_in_dim3A_171] : memref<64x512xf32, #tpu.memory_space<vmem>>[vector<16xi32>, vector<16xi32>], vector<16xf32>,
            %mul3A_173 = arith.constant 64 : i32
            %mul3A_174 = arith.muli %and3A_141, %mul3A_173 : i32
            %add3A_175 = arith.constant 32 : i32
            %add3A_176 = arith.addi %mul3A_174, %add3A_175 : i32
            %swap3A_177 = arith.index_cast %add3A_176 : i32 to index
            %swap3A_178 = tpu.vector_load %arg11[%swap3A_177] {strides = array<i32>} : memref<1024xf32, #tpu.memory_space<vmem>>, vector<16xf32>,
            tpu.vector_store %arg11[%swap3A_177], %gather3A_172 {strides = array<i32>} : memref<1024xf32, #tpu.memory_space<vmem>>, vector<16xf32>,
            %add3A_179 = arith.constant 48 : i32
            %add3A_180 = vector.broadcast %add3A_179 : i32 to vector<16xi32>
            %add3A_181 = arith.addi %iota3A, %add3A_180 : vector<16xi32>
            %broadcast_in_dim3A_182 = vector.broadcast %and3A_131 : i32 to vector<16xi32>
            %gather3A_183 = tpu.vector_load_idx %arg9[%add3A_181, %broadcast_in_dim3A_182] : memref<64x512xf32, #tpu.memory_space<vmem>>[vector<16xi32>, vector<16xi32>], vector<16xf32>,
            %mul3A_184 = arith.constant 64 : i32
            %mul3A_185 = arith.muli %and3A_141, %mul3A_184 : i32
            %add3A_186 = arith.constant 48 : i32
            %add3A_187 = arith.addi %mul3A_185, %add3A_186 : i32
            %swap3A_188 = arith.index_cast %add3A_187 : i32 to index
            %swap3A_189 = tpu.vector_load %arg11[%swap3A_188] {strides = array<i32>} : memref<1024xf32, #tpu.memory_space<vmem>>, vector<16xf32>,
            tpu.vector_store %arg11[%swap3A_188], %gather3A_183 {strides = array<i32>} : memref<1024xf32, #tpu.memory_space<vmem>>, vector<16xf32>,
            %mul3A_190 = arith.constant 64 : i32
            %mul3A_191 = arith.muli %and3A_141, %mul3A_190 : i32
            %mul3A_192 = arith.constant 64 : i32
            %mul3A_193 = arith.muli %squeeze3A_136, %mul3A_192 : i32
            %multiple_of3A = tpu.assume_multiple %mul3A_193, 64 : i32
            %dma_start3A = tpu.memref_slice %arg11[%mul3A_191] : memref<1024xf32, #tpu.memory_space<vmem>> -> memref<64xf32, #tpu.memory_space<vmem>>
            %dma_start3A_194 = tpu.memref_slice %arg4[%multiple_of3A] : memref<1048576xf32, #tpu.memory_space<hbm>> -> memref<64xf32, #tpu.memory_space<hbm>>
            %dma_start3A_195 = tpu.memref_slice %arg4[%multiple_of3A] : memref<1048576xf32, #tpu.memory_space<hbm>> -> memref<64xf32, #tpu.memory_space<hbm>>
            %dma_start3A_196 = tpu.memref_slice %arg11[%mul3A_191] : memref<1024xf32, #tpu.memory_space<vmem>> -> memref<64xf32, #tpu.memory_space<vmem>>
            tpu.enqueue_dma source(%dma_start3A_196 : memref<64xf32, #tpu.memory_space<vmem>>) target(%dma_start3A_195 : memref<64xf32, #tpu.memory_space<hbm>>) target_semaphore(%arg15 : memref<!tpu.dma_semaphore, #tpu.memory_space<semaphore_mem>>)
            %add3A_197 = arith.constant 1 : i32
            %add3A_198 = arith.addi %get3A_139, %add3A_197 : i32
            %swap3A_199 = arith.constant 0 : i32
            %swap3A_200 = arith.index_cast %swap3A_199 : i32 to index
            %swap3A_201 = memref.load %arg12[%swap3A_200] : memref<2xi32, #tpu.memory_space<smem>>
            memref.store %add3A_198, %arg12[%swap3A_200] : memref<2xi32, #tpu.memory_space<smem>>
            %xor3A_202 = vector.broadcast %while3A_121 : i32 to vector<16xi32>
            %xor3A_203 = arith.xori %iota3A, %xor3A_202 : vector<16xi32>
            %sub3A_204 = arith.constant 1 : i32
            %sub3A_205 = vector.broadcast %sub3A_204 : i32 to vector<16xi32>
            %sub3A_206 = arith.subi %xor3A_203, %sub3A_205 : vector<16xi32>
            %shift_right_arithmetic3A_207 = arith.constant 31 : i32
            %shift_right_arithmetic3A_208 = vector.broadcast %shift_right_arithmetic3A_207 : i32 to vector<16xi32>
            %shift_right_arithmetic3A_209 = arith.shrsi %sub3A_206, %shift_right_arithmetic3A_208 : vector<16xi32>
            %and3A_210 = arith.constant 1 : i32
            %and3A_211 = vector.broadcast %and3A_210 : i32 to vector<16xi32>
            %and3A_212 = arith.andi %shift_right_arithmetic3A_209, %and3A_211 : vector<16xi32>
            %sub3A_213 = arith.constant 1 : i32
            %sub3A_214 = vector.broadcast %sub3A_213 : i32 to vector<16xi32>
            %sub3A_215 = arith.subi %sub3A_214, %and3A_212 : vector<16xi32>
            %mul3A_216 = arith.muli %while3A_120, %sub3A_215 : vector<16xi32>
            %eq3A_217 = arith.constant 1 : i32
            %eq3A_218 = vector.broadcast %eq3A_217 : i32 to vector<16xi32>
            %eq3A_219 = arith.cmpi eq, %mul3A_216, %eq3A_218 : vector<16xi32>
            %all_reduce_ffs3A_220 = tpu.all_reduce %eq3A_219 {dim = 0 : i64, kind = #tpu.reduction_kind<find_first_set>} : vector<16xi1> -> vector<16xi32>
            %slice3A_221 = vector.extract_strided_slice %all_reduce_ffs3A_220 {offsets = [0], sizes = [1], strides = [1]} : vector<16xi32> to vector<1xi32>
            %squeeze3A_222 = vector.extract %slice3A_221[0] : i32 from vector<1xi32>
            scf.yield %mul3A_216, %squeeze3A_222 : vector<16xi32>, i32
          }
        }
        %while3A_94 = arith.constant 1 : i32
        scf.for %while3A_95 = %while3A_92 to %while3A_88 step %while3A_94  : i32 {
          %mul3A_96 = arith.constant 16 : i32
          %mul3A_97 = arith.muli %while3A_95, %mul3A_96 : i32
          %get3A_98 = arith.index_cast %mul3A_97 : i32 to index
          %get3A_99 = tpu.vector_load %arg6[%get3A_98] {strides = array<i32>} : memref<16416xi32, #tpu.memory_space<vmem>>, vector<16xi32>,
          %shift_right_arithmetic3A = arith.constant 9 : i32
          %shift_right_arithmetic3A_100 = vector.broadcast %shift_right_arithmetic3A : i32 to vector<16xi32>
          %shift_right_arithmetic3A_101 = arith.shrsi %get3A_99, %shift_right_arithmetic3A_100 : vector<16xi32>
          %xor3A = vector.broadcast %add3A_63 : i32 to vector<16xi32>
          %xor3A_102 = arith.xori %shift_right_arithmetic3A_101, %xor3A : vector<16xi32>
          %sub3A_103 = arith.constant 1 : i32
          %sub3A_104 = vector.broadcast %sub3A_103 : i32 to vector<16xi32>
          %sub3A_105 = arith.subi %xor3A_102, %sub3A_104 : vector<16xi32>
          %shift_right_arithmetic3A_106 = arith.constant 31 : i32
          %shift_right_arithmetic3A_107 = vector.broadcast %shift_right_arithmetic3A_106 : i32 to vector<16xi32>
          %shift_right_arithmetic3A_108 = arith.shrsi %sub3A_105, %shift_right_arithmetic3A_107 : vector<16xi32>
          %and3A_109 = arith.constant 1 : i32
          %and3A_110 = vector.broadcast %and3A_109 : i32 to vector<16xi32>
          %and3A_111 = arith.andi %shift_right_arithmetic3A_108, %and3A_110 : vector<16xi32>
          %eq3A_112 = arith.constant 1 : i32
          %eq3A_113 = vector.broadcast %eq3A_112 : i32 to vector<16xi32>
          %eq3A_114 = arith.cmpi eq, %and3A_111, %eq3A_113 : vector<16xi32>
          %all_reduce_ffs3A = tpu.all_reduce %eq3A_114 {dim = 0 : i64, kind = #tpu.reduction_kind<find_first_set>} : vector<16xi1> -> vector<16xi32>
          %slice3A = vector.extract_strided_slice %all_reduce_ffs3A {offsets = [0], sizes = [1], strides = [1]} : vector<16xi32> to vector<1xi32>
          %squeeze3A = vector.extract %slice3A[0] : i32 from vector<1xi32>
          %mul3A_115 = arith.constant 16 : i32
          %mul3A_116 = arith.muli %while3A_95, %mul3A_115 : i32
          %get3A_117 = arith.index_cast %mul3A_116 : i32 to index
          %get3A_118 = tpu.vector_load %arg7[%get3A_117] {strides = array<i32>} : memref<16416xi32, #tpu.memory_space<vmem>>, vector<16xi32>,
          %while3A_119:2 = scf.while (%while3A_120 = %and3A_111, %while3A_121 = %squeeze3A) : (vector<16xi32>, i32) -> (vector<16xi32>, i32) {
            %lt3A_122 = arith.constant 16 : i32
            %lt3A_123 = arith.cmpi slt, %while3A_121, %lt3A_122 : i32
            scf.condition(%lt3A_123) %while3A_120, %while3A_121 : vector<16xi32>, i32
          } do {
          ^bb0(%while3A_120: vector<16xi32>, %while3A_121: i32):
            %broadcast_in_dim3A_122 = arith.constant 0 : i32
            %broadcast_in_dim3A_123 = vector.broadcast %broadcast_in_dim3A_122 : i32 to vector<16xi32>
            %add3A_124 = vector.broadcast %while3A_121 : i32 to vector<16xi32>
            %add3A_125 = arith.addi %broadcast_in_dim3A_123, %add3A_124 : vector<16xi32>
            %broadcast_in_dim3A_126 = vector.shape_cast %add3A_125 : vector<16xi32> to vector<16x1xi32>
            %gather3A = vector.shape_cast %broadcast_in_dim3A_126 : vector<16x1xi32> to vector<16xi32>
            %gather3A_127 = tpu.dynamic_gather %get3A_99[%gather3A] in [0] : vector<16xi32>, vector<16xi32> -> vector<16xi32>
            %slice3A_128 = vector.extract_strided_slice %gather3A_127 {offsets = [0], sizes = [1], strides = [1]} : vector<16xi32> to vector<1xi32>
            %squeeze3A_129 = vector.extract %slice3A_128[0] : i32 from vector<1xi32>
            %and3A_130 = arith.constant 511 : i32
            %and3A_131 = arith.andi %squeeze3A_129, %and3A_130 : i32
            %broadcast_in_dim3A_132 = vector.shape_cast %add3A_125 : vector<16xi32> to vector<16x1xi32>
            %gather3A_133 = vector.shape_cast %broadcast_in_dim3A_132 : vector<16x1xi32> to vector<16xi32>
            %gather3A_134 = tpu.dynamic_gather %get3A_118[%gather3A_133] in [0] : vector<16xi32>, vector<16xi32> -> vector<16xi32>
            %slice3A_135 = vector.extract_strided_slice %gather3A_134 {offsets = [0], sizes = [1], strides = [1]} : vector<16xi32> to vector<1xi32>
            %squeeze3A_136 = vector.extract %slice3A_135[0] : i32 from vector<1xi32>
            %get3A_137 = arith.constant 0 : i32
            %get3A_138 = arith.index_cast %get3A_137 : i32 to index
            %get3A_139 = memref.load %arg12[%get3A_138] : memref<2xi32, #tpu.memory_space<smem>>
            %and3A_140 = arith.constant 15 : i32
            %and3A_141 = arith.andi %get3A_139, %and3A_140 : i32
            %ge3A = arith.constant 16 : i32
            %ge3A_142 = arith.cmpi sge, %get3A_139, %ge3A : i32
            %convert_element_type3A_143 = arith.extui %ge3A_142 : i1 to i32
            %cond3A_144 = arith.constant 0 : i32
            %cond3A_145 = arith.cmpi ne, %convert_element_type3A_143, %cond3A_144 : i32
            scf.if %cond3A_145 {
              %dma_wait3A_223 = arith.constant 0 : i32
              %dma_wait3A_224 = tpu.memref_slice %arg11[%dma_wait3A_223] : memref<1024xf32, #tpu.memory_space<vmem>> -> memref<64xf32, #tpu.memory_space<vmem>>
              %dma_wait3A_225 = arith.constant 0 : i32
              %dma_wait3A_226 = tpu.memref_slice %arg4[%dma_wait3A_225] : memref<1048576xf32, #tpu.memory_space<hbm>> -> memref<64xf32, #tpu.memory_space<hbm>>
              %dma_wait3A_227 = arith.constant 0 : i32
              %dma_wait3A_228 = tpu.memref_slice %arg11[%dma_wait3A_227] : memref<1024xf32, #tpu.memory_space<vmem>> -> memref<64xf32, #tpu.memory_space<vmem>>
              %dma_wait3A_229 = arith.constant 0 : i32
              %dma_wait3A_230 = tpu.memref_slice %arg4[%dma_wait3A_229] : memref<1048576xf32, #tpu.memory_space<hbm>> -> memref<64xf32, #tpu.memory_space<hbm>>
              tpu.wait_dma2 semaphore(%arg15 : memref<!tpu.dma_semaphore, #tpu.memory_space<semaphore_mem>>) src(%dma_wait3A_230 : memref<64xf32, #tpu.memory_space<hbm>>) dst(%dma_wait3A_228 : memref<64xf32, #tpu.memory_space<vmem>>)
            } else {
            }
            %add3A_146 = arith.constant 0 : i32
            %add3A_147 = vector.broadcast %add3A_146 : i32 to vector<16xi32>
            %add3A_148 = arith.addi %iota3A, %add3A_147 : vector<16xi32>
            %broadcast_in_dim3A_149 = vector.broadcast %and3A_131 : i32 to vector<16xi32>
            %gather3A_150 = tpu.vector_load_idx %arg9[%add3A_148, %broadcast_in_dim3A_149] : memref<64x512xf32, #tpu.memory_space<vmem>>[vector<16xi32>, vector<16xi32>], vector<16xf32>,
            %mul3A_151 = arith.constant 64 : i32
            %mul3A_152 = arith.muli %and3A_141, %mul3A_151 : i32
            %add3A_153 = arith.constant 0 : i32
            %add3A_154 = arith.addi %mul3A_152, %add3A_153 : i32
            %swap3A_155 = arith.index_cast %add3A_154 : i32 to index
            %swap3A_156 = tpu.vector_load %arg11[%swap3A_155] {strides = array<i32>} : memref<1024xf32, #tpu.memory_space<vmem>>, vector<16xf32>,
            tpu.vector_store %arg11[%swap3A_155], %gather3A_150 {strides = array<i32>} : memref<1024xf32, #tpu.memory_space<vmem>>, vector<16xf32>,
            %add3A_157 = arith.constant 16 : i32
            %add3A_158 = vector.broadcast %add3A_157 : i32 to vector<16xi32>
            %add3A_159 = arith.addi %iota3A, %add3A_158 : vector<16xi32>
            %broadcast_in_dim3A_160 = vector.broadcast %and3A_131 : i32 to vector<16xi32>
            %gather3A_161 = tpu.vector_load_idx %arg9[%add3A_159, %broadcast_in_dim3A_160] : memref<64x512xf32, #tpu.memory_space<vmem>>[vector<16xi32>, vector<16xi32>], vector<16xf32>,
            %mul3A_162 = arith.constant 64 : i32
            %mul3A_163 = arith.muli %and3A_141, %mul3A_162 : i32
            %add3A_164 = arith.constant 16 : i32
            %add3A_165 = arith.addi %mul3A_163, %add3A_164 : i32
            %swap3A_166 = arith.index_cast %add3A_165 : i32 to index
            %swap3A_167 = tpu.vector_load %arg11[%swap3A_166] {strides = array<i32>} : memref<1024xf32, #tpu.memory_space<vmem>>, vector<16xf32>,
            tpu.vector_store %arg11[%swap3A_166], %gather3A_161 {strides = array<i32>} : memref<1024xf32, #tpu.memory_space<vmem>>, vector<16xf32>,
            %add3A_168 = arith.constant 32 : i32
            %add3A_169 = vector.broadcast %add3A_168 : i32 to vector<16xi32>
            %add3A_170 = arith.addi %iota3A, %add3A_169 : vector<16xi32>
            %broadcast_in_dim3A_171 = vector.broadcast %and3A_131 : i32 to vector<16xi32>
            %gather3A_172 = tpu.vector_load_idx %arg9[%add3A_170, %broadcast_in_dim3A_171] : memref<64x512xf32, #tpu.memory_space<vmem>>[vector<16xi32>, vector<16xi32>], vector<16xf32>,
            %mul3A_173 = arith.constant 64 : i32
            %mul3A_174 = arith.muli %and3A_141, %mul3A_173 : i32
            %add3A_175 = arith.constant 32 : i32
            %add3A_176 = arith.addi %mul3A_174, %add3A_175 : i32
            %swap3A_177 = arith.index_cast %add3A_176 : i32 to index
            %swap3A_178 = tpu.vector_load %arg11[%swap3A_177] {strides = array<i32>} : memref<1024xf32, #tpu.memory_space<vmem>>, vector<16xf32>,
            tpu.vector_store %arg11[%swap3A_177], %gather3A_172 {strides = array<i32>} : memref<1024xf32, #tpu.memory_space<vmem>>, vector<16xf32>,
            %add3A_179 = arith.constant 48 : i32
            %add3A_180 = vector.broadcast %add3A_179 : i32 to vector<16xi32>
            %add3A_181 = arith.addi %iota3A, %add3A_180 : vector<16xi32>
            %broadcast_in_dim3A_182 = vector.broadcast %and3A_131 : i32 to vector<16xi32>
            %gather3A_183 = tpu.vector_load_idx %arg9[%add3A_181, %broadcast_in_dim3A_182] : memref<64x512xf32, #tpu.memory_space<vmem>>[vector<16xi32>, vector<16xi32>], vector<16xf32>,
            %mul3A_184 = arith.constant 64 : i32
            %mul3A_185 = arith.muli %and3A_141, %mul3A_184 : i32
            %add3A_186 = arith.constant 48 : i32
            %add3A_187 = arith.addi %mul3A_185, %add3A_186 : i32
            %swap3A_188 = arith.index_cast %add3A_187 : i32 to index
            %swap3A_189 = tpu.vector_load %arg11[%swap3A_188] {strides = array<i32>} : memref<1024xf32, #tpu.memory_space<vmem>>, vector<16xf32>,
            tpu.vector_store %arg11[%swap3A_188], %gather3A_183 {strides = array<i32>} : memref<1024xf32, #tpu.memory_space<vmem>>, vector<16xf32>,
            %mul3A_190 = arith.constant 64 : i32
            %mul3A_191 = arith.muli %and3A_141, %mul3A_190 : i32
            %mul3A_192 = arith.constant 64 : i32
            %mul3A_193 = arith.muli %squeeze3A_136, %mul3A_192 : i32
            %multiple_of3A = tpu.assume_multiple %mul3A_193, 64 : i32
            %dma_start3A = tpu.memref_slice %arg11[%mul3A_191] : memref<1024xf32, #tpu.memory_space<vmem>> -> memref<64xf32, #tpu.memory_space<vmem>>
            %dma_start3A_194 = tpu.memref_slice %arg4[%multiple_of3A] : memref<1048576xf32, #tpu.memory_space<hbm>> -> memref<64xf32, #tpu.memory_space<hbm>>
            %dma_start3A_195 = tpu.memref_slice %arg4[%multiple_of3A] : memref<1048576xf32, #tpu.memory_space<hbm>> -> memref<64xf32, #tpu.memory_space<hbm>>
            %dma_start3A_196 = tpu.memref_slice %arg11[%mul3A_191] : memref<1024xf32, #tpu.memory_space<vmem>> -> memref<64xf32, #tpu.memory_space<vmem>>
            tpu.enqueue_dma source(%dma_start3A_196 : memref<64xf32, #tpu.memory_space<vmem>>) target(%dma_start3A_195 : memref<64xf32, #tpu.memory_space<hbm>>) target_semaphore(%arg15 : memref<!tpu.dma_semaphore, #tpu.memory_space<semaphore_mem>>)
            %add3A_197 = arith.constant 1 : i32
            %add3A_198 = arith.addi %get3A_139, %add3A_197 : i32
            %swap3A_199 = arith.constant 0 : i32
            %swap3A_200 = arith.index_cast %swap3A_199 : i32 to index
            %swap3A_201 = memref.load %arg12[%swap3A_200] : memref<2xi32, #tpu.memory_space<smem>>
            memref.store %add3A_198, %arg12[%swap3A_200] : memref<2xi32, #tpu.memory_space<smem>>
            %xor3A_202 = vector.broadcast %while3A_121 : i32 to vector<16xi32>
            %xor3A_203 = arith.xori %iota3A, %xor3A_202 : vector<16xi32>
            %sub3A_204 = arith.constant 1 : i32
            %sub3A_205 = vector.broadcast %sub3A_204 : i32 to vector<16xi32>
            %sub3A_206 = arith.subi %xor3A_203, %sub3A_205 : vector<16xi32>
            %shift_right_arithmetic3A_207 = arith.constant 31 : i32
            %shift_right_arithmetic3A_208 = vector.broadcast %shift_right_arithmetic3A_207 : i32 to vector<16xi32>
            %shift_right_arithmetic3A_209 = arith.shrsi %sub3A_206, %shift_right_arithmetic3A_208 : vector<16xi32>
            %and3A_210 = arith.constant 1 : i32
            %and3A_211 = vector.broadcast %and3A_210 : i32 to vector<16xi32>
            %and3A_212 = arith.andi %shift_right_arithmetic3A_209, %and3A_211 : vector<16xi32>
            %sub3A_213 = arith.constant 1 : i32
            %sub3A_214 = vector.broadcast %sub3A_213 : i32 to vector<16xi32>
            %sub3A_215 = arith.subi %sub3A_214, %and3A_212 : vector<16xi32>
            %mul3A_216 = arith.muli %while3A_120, %sub3A_215 : vector<16xi32>
            %eq3A_217 = arith.constant 1 : i32
            %eq3A_218 = vector.broadcast %eq3A_217 : i32 to vector<16xi32>
            %eq3A_219 = arith.cmpi eq, %mul3A_216, %eq3A_218 : vector<16xi32>
            %all_reduce_ffs3A_220 = tpu.all_reduce %eq3A_219 {dim = 0 : i64, kind = #tpu.reduction_kind<find_first_set>} : vector<16xi1> -> vector<16xi32>
            %slice3A_221 = vector.extract_strided_slice %all_reduce_ffs3A_220 {offsets = [0], sizes = [1], strides = [1]} : vector<16xi32> to vector<1xi32>
            %squeeze3A_222 = vector.extract %slice3A_221[0] : i32 from vector<1xi32>
            scf.yield %mul3A_216, %squeeze3A_222 : vector<16xi32>, i32
          }
        }
      } else {
      }
    }
    %scan3A_45 = arith.constant 31 : i32
    %eq3A = arith.constant 1 : i32
    %eq3A_46 = arith.cmpi eq, %add3A, %eq3A : i32
    %convert_element_type3A_47 = arith.extui %eq3A_46 : i1 to i32
    %cond3A_48 = arith.constant 0 : i32
    %cond3A_49 = arith.cmpi ne, %convert_element_type3A_47, %cond3A_48 : i32
    scf.if %cond3A_49 {
      "tpu.region"() ({
        %run_scoped3A = tpu.sem_alloc : memref<!tpu.dma_semaphore, #tpu.memory_space<semaphore_mem>>
        %dma_start3A = arith.constant 0 : i32
        %dma_start3A_66 = arith.constant 999936 : i32
        %dma_start3A_67 = tpu.memref_slice %arg3[%dma_start3A, %dma_start3A_66] : memref<64x1000000xf32, #tpu.memory_space<hbm>> -> memref<64x64xf32, #tpu.memory_space<hbm>>
        %dma_start3A_68 = arith.constant 0 : i32
        %dma_start3A_69 = arith.constant 999936 : i32
        %dma_start3A_70 = tpu.memref_slice %arg3[%dma_start3A_68, %dma_start3A_69] : memref<64x1000000xf32, #tpu.memory_space<hbm>> -> memref<64x64xf32, #tpu.memory_space<hbm>>
        tpu.enqueue_dma source(%dma_start3A_70 : memref<64x64xf32, #tpu.memory_space<hbm>>) target(%arg10 : memref<64x64xf32, #tpu.memory_space<vmem>>) target_semaphore(%run_scoped3A : memref<!tpu.dma_semaphore, #tpu.memory_space<semaphore_mem>>)
        %dma_wait3A = arith.constant 0 : i32
        %dma_wait3A_71 = arith.constant 999936 : i32
        %dma_wait3A_72 = tpu.memref_slice %arg3[%dma_wait3A, %dma_wait3A_71] : memref<64x1000000xf32, #tpu.memory_space<hbm>> -> memref<64x64xf32, #tpu.memory_space<hbm>>
        %dma_wait3A_73 = arith.constant 0 : i32
        %dma_wait3A_74 = arith.constant 999936 : i32
        %dma_wait3A_75 = tpu.memref_slice %arg3[%dma_wait3A_73, %dma_wait3A_74] : memref<64x1000000xf32, #tpu.memory_space<hbm>> -> memref<64x64xf32, #tpu.memory_space<hbm>>
        tpu.wait_dma2 semaphore(%run_scoped3A : memref<!tpu.dma_semaphore, #tpu.memory_space<semaphore_mem>>) src(%dma_wait3A_75 : memref<64x64xf32, #tpu.memory_space<hbm>>) dst(%arg10 : memref<64x64xf32, #tpu.memory_space<vmem>>)
        tpu.yield
      }) : () -> ()
      %while3A = arith.constant 0 : i32
      %while3A_56 = arith.constant 1953 : i32
      %while3A_57 = arith.constant 0 : i32
      %while3A_58 = arith.subi %select_n3A, %while3A_57 : i32
      %while3A_59 = arith.addi %while3A_57, %while3A_58 : i32
      %while3A_60 = arith.constant 1 : i32
      %while3A_61 = arith.divsi %while3A_58, %while3A_60 : i32
      %while3A_62 = arith.muli %while3A_61, %while3A_60 : i32
      %while3A_63 = arith.addi %while3A_57, %while3A_62 : i32
      %while3A_64 = arith.constant 1 : i32
      scf.for %while3A_66 = %while3A_57 to %while3A_63 step %while3A_64  : i32 {
        %mul3A_67 = arith.constant 16 : i32
        %mul3A_68 = arith.muli %while3A_66, %mul3A_67 : i32
        %get3A_69 = arith.index_cast %mul3A_68 : i32 to index
        %get3A_70 = tpu.vector_load %arg6[%get3A_69] {strides = array<i32>} : memref<16416xi32, #tpu.memory_space<vmem>>, vector<16xi32>,
        %shift_right_arithmetic3A = arith.constant 9 : i32
        %shift_right_arithmetic3A_71 = vector.broadcast %shift_right_arithmetic3A : i32 to vector<16xi32>
        %shift_right_arithmetic3A_72 = arith.shrsi %get3A_70, %shift_right_arithmetic3A_71 : vector<16xi32>
        %xor3A = vector.broadcast %while3A_56 : i32 to vector<16xi32>
        %xor3A_73 = arith.xori %shift_right_arithmetic3A_72, %xor3A : vector<16xi32>
        %sub3A_74 = arith.constant 1 : i32
        %sub3A_75 = vector.broadcast %sub3A_74 : i32 to vector<16xi32>
        %sub3A_76 = arith.subi %xor3A_73, %sub3A_75 : vector<16xi32>
        %shift_right_arithmetic3A_77 = arith.constant 31 : i32
        %shift_right_arithmetic3A_78 = vector.broadcast %shift_right_arithmetic3A_77 : i32 to vector<16xi32>
        %shift_right_arithmetic3A_79 = arith.shrsi %sub3A_76, %shift_right_arithmetic3A_78 : vector<16xi32>
        %and3A_80 = arith.constant 1 : i32
        %and3A_81 = vector.broadcast %and3A_80 : i32 to vector<16xi32>
        %and3A_82 = arith.andi %shift_right_arithmetic3A_79, %and3A_81 : vector<16xi32>
        %eq3A_83 = arith.constant 1 : i32
        %eq3A_84 = vector.broadcast %eq3A_83 : i32 to vector<16xi32>
        %eq3A_85 = arith.cmpi eq, %and3A_82, %eq3A_84 : vector<16xi32>
        %all_reduce_ffs3A = tpu.all_reduce %eq3A_85 {dim = 0 : i64, kind = #tpu.reduction_kind<find_first_set>} : vector<16xi1> -> vector<16xi32>
        %slice3A = vector.extract_strided_slice %all_reduce_ffs3A {offsets = [0], sizes = [1], strides = [1]} : vector<16xi32> to vector<1xi32>
        %squeeze3A = vector.extract %slice3A[0] : i32 from vector<1xi32>
        %mul3A_86 = arith.constant 16 : i32
        %mul3A_87 = arith.muli %while3A_66, %mul3A_86 : i32
        %get3A_88 = arith.index_cast %mul3A_87 : i32 to index
        %get3A_89 = tpu.vector_load %arg7[%get3A_88] {strides = array<i32>} : memref<16416xi32, #tpu.memory_space<vmem>>, vector<16xi32>,
        %while3A_90:2 = scf.while (%while3A_91 = %and3A_82, %while3A_92 = %squeeze3A) : (vector<16xi32>, i32) -> (vector<16xi32>, i32) {
          %lt3A_93 = arith.constant 16 : i32
          %lt3A_94 = arith.cmpi slt, %while3A_92, %lt3A_93 : i32
          scf.condition(%lt3A_94) %while3A_91, %while3A_92 : vector<16xi32>, i32
        } do {
        ^bb0(%while3A_91: vector<16xi32>, %while3A_92: i32):
          %broadcast_in_dim3A_93 = arith.constant 0 : i32
          %broadcast_in_dim3A_94 = vector.broadcast %broadcast_in_dim3A_93 : i32 to vector<16xi32>
          %add3A_95 = vector.broadcast %while3A_92 : i32 to vector<16xi32>
          %add3A_96 = arith.addi %broadcast_in_dim3A_94, %add3A_95 : vector<16xi32>
          %broadcast_in_dim3A_97 = vector.shape_cast %add3A_96 : vector<16xi32> to vector<16x1xi32>
          %gather3A = vector.shape_cast %broadcast_in_dim3A_97 : vector<16x1xi32> to vector<16xi32>
          %gather3A_98 = tpu.dynamic_gather %get3A_70[%gather3A] in [0] : vector<16xi32>, vector<16xi32> -> vector<16xi32>
          %slice3A_99 = vector.extract_strided_slice %gather3A_98 {offsets = [0], sizes = [1], strides = [1]} : vector<16xi32> to vector<1xi32>
          %squeeze3A_100 = vector.extract %slice3A_99[0] : i32 from vector<1xi32>
          %and3A_101 = arith.constant 511 : i32
          %and3A_102 = arith.andi %squeeze3A_100, %and3A_101 : i32
          %broadcast_in_dim3A_103 = vector.shape_cast %add3A_96 : vector<16xi32> to vector<16x1xi32>
          %gather3A_104 = vector.shape_cast %broadcast_in_dim3A_103 : vector<16x1xi32> to vector<16xi32>
          %gather3A_105 = tpu.dynamic_gather %get3A_89[%gather3A_104] in [0] : vector<16xi32>, vector<16xi32> -> vector<16xi32>
          %slice3A_106 = vector.extract_strided_slice %gather3A_105 {offsets = [0], sizes = [1], strides = [1]} : vector<16xi32> to vector<1xi32>
          %squeeze3A_107 = vector.extract %slice3A_106[0] : i32 from vector<1xi32>
          %get3A_108 = arith.constant 0 : i32
          %get3A_109 = arith.index_cast %get3A_108 : i32 to index
          %get3A_110 = memref.load %arg12[%get3A_109] : memref<2xi32, #tpu.memory_space<smem>>
          %and3A_111 = arith.constant 15 : i32
          %and3A_112 = arith.andi %get3A_110, %and3A_111 : i32
          %ge3A = arith.constant 16 : i32
          %ge3A_113 = arith.cmpi sge, %get3A_110, %ge3A : i32
          %convert_element_type3A_114 = arith.extui %ge3A_113 : i1 to i32
          %cond3A_115 = arith.constant 0 : i32
          %cond3A_116 = arith.cmpi ne, %convert_element_type3A_114, %cond3A_115 : i32
          scf.if %cond3A_116 {
            %dma_wait3A = arith.constant 0 : i32
            %dma_wait3A_194 = tpu.memref_slice %arg11[%dma_wait3A] : memref<1024xf32, #tpu.memory_space<vmem>> -> memref<64xf32, #tpu.memory_space<vmem>>
            %dma_wait3A_195 = arith.constant 0 : i32
            %dma_wait3A_196 = tpu.memref_slice %arg4[%dma_wait3A_195] : memref<1048576xf32, #tpu.memory_space<hbm>> -> memref<64xf32, #tpu.memory_space<hbm>>
            %dma_wait3A_197 = arith.constant 0 : i32
            %dma_wait3A_198 = tpu.memref_slice %arg11[%dma_wait3A_197] : memref<1024xf32, #tpu.memory_space<vmem>> -> memref<64xf32, #tpu.memory_space<vmem>>
            %dma_wait3A_199 = arith.constant 0 : i32
            %dma_wait3A_200 = tpu.memref_slice %arg4[%dma_wait3A_199] : memref<1048576xf32, #tpu.memory_space<hbm>> -> memref<64xf32, #tpu.memory_space<hbm>>
            tpu.wait_dma2 semaphore(%arg15 : memref<!tpu.dma_semaphore, #tpu.memory_space<semaphore_mem>>) src(%dma_wait3A_200 : memref<64xf32, #tpu.memory_space<hbm>>) dst(%dma_wait3A_198 : memref<64xf32, #tpu.memory_space<vmem>>)
          } else {
          }
          %add3A_117 = arith.constant 0 : i32
          %add3A_118 = vector.broadcast %add3A_117 : i32 to vector<16xi32>
          %add3A_119 = arith.addi %iota3A, %add3A_118 : vector<16xi32>
          %broadcast_in_dim3A_120 = vector.broadcast %and3A_102 : i32 to vector<16xi32>
          %gather3A_121 = tpu.vector_load_idx %arg10[%add3A_119, %broadcast_in_dim3A_120] : memref<64x64xf32, #tpu.memory_space<vmem>>[vector<16xi32>, vector<16xi32>], vector<16xf32>,
          %mul3A_122 = arith.constant 64 : i32
          %mul3A_123 = arith.muli %and3A_112, %mul3A_122 : i32
          %add3A_124 = arith.constant 0 : i32
          %add3A_125 = arith.addi %mul3A_123, %add3A_124 : i32
          %swap3A_126 = arith.index_cast %add3A_125 : i32 to index
          %swap3A_127 = tpu.vector_load %arg11[%swap3A_126] {strides = array<i32>} : memref<1024xf32, #tpu.memory_space<vmem>>, vector<16xf32>,
          tpu.vector_store %arg11[%swap3A_126], %gather3A_121 {strides = array<i32>} : memref<1024xf32, #tpu.memory_space<vmem>>, vector<16xf32>,
          %add3A_128 = arith.constant 16 : i32
          %add3A_129 = vector.broadcast %add3A_128 : i32 to vector<16xi32>
          %add3A_130 = arith.addi %iota3A, %add3A_129 : vector<16xi32>
          %broadcast_in_dim3A_131 = vector.broadcast %and3A_102 : i32 to vector<16xi32>
          %gather3A_132 = tpu.vector_load_idx %arg10[%add3A_130, %broadcast_in_dim3A_131] : memref<64x64xf32, #tpu.memory_space<vmem>>[vector<16xi32>, vector<16xi32>], vector<16xf32>,
          %mul3A_133 = arith.constant 64 : i32
          %mul3A_134 = arith.muli %and3A_112, %mul3A_133 : i32
          %add3A_135 = arith.constant 16 : i32
          %add3A_136 = arith.addi %mul3A_134, %add3A_135 : i32
          %swap3A_137 = arith.index_cast %add3A_136 : i32 to index
          %swap3A_138 = tpu.vector_load %arg11[%swap3A_137] {strides = array<i32>} : memref<1024xf32, #tpu.memory_space<vmem>>, vector<16xf32>,
          tpu.vector_store %arg11[%swap3A_137], %gather3A_132 {strides = array<i32>} : memref<1024xf32, #tpu.memory_space<vmem>>, vector<16xf32>,
          %add3A_139 = arith.constant 32 : i32
          %add3A_140 = vector.broadcast %add3A_139 : i32 to vector<16xi32>
          %add3A_141 = arith.addi %iota3A, %add3A_140 : vector<16xi32>
          %broadcast_in_dim3A_142 = vector.broadcast %and3A_102 : i32 to vector<16xi32>
          %gather3A_143 = tpu.vector_load_idx %arg10[%add3A_141, %broadcast_in_dim3A_142] : memref<64x64xf32, #tpu.memory_space<vmem>>[vector<16xi32>, vector<16xi32>], vector<16xf32>,
          %mul3A_144 = arith.constant 64 : i32
          %mul3A_145 = arith.muli %and3A_112, %mul3A_144 : i32
          %add3A_146 = arith.constant 32 : i32
          %add3A_147 = arith.addi %mul3A_145, %add3A_146 : i32
          %swap3A_148 = arith.index_cast %add3A_147 : i32 to index
          %swap3A_149 = tpu.vector_load %arg11[%swap3A_148] {strides = array<i32>} : memref<1024xf32, #tpu.memory_space<vmem>>, vector<16xf32>,
          tpu.vector_store %arg11[%swap3A_148], %gather3A_143 {strides = array<i32>} : memref<1024xf32, #tpu.memory_space<vmem>>, vector<16xf32>,
          %add3A_150 = arith.constant 48 : i32
          %add3A_151 = vector.broadcast %add3A_150 : i32 to vector<16xi32>
          %add3A_152 = arith.addi %iota3A, %add3A_151 : vector<16xi32>
          %broadcast_in_dim3A_153 = vector.broadcast %and3A_102 : i32 to vector<16xi32>
          %gather3A_154 = tpu.vector_load_idx %arg10[%add3A_152, %broadcast_in_dim3A_153] : memref<64x64xf32, #tpu.memory_space<vmem>>[vector<16xi32>, vector<16xi32>], vector<16xf32>,
          %mul3A_155 = arith.constant 64 : i32
          %mul3A_156 = arith.muli %and3A_112, %mul3A_155 : i32
          %add3A_157 = arith.constant 48 : i32
          %add3A_158 = arith.addi %mul3A_156, %add3A_157 : i32
          %swap3A_159 = arith.index_cast %add3A_158 : i32 to index
          %swap3A_160 = tpu.vector_load %arg11[%swap3A_159] {strides = array<i32>} : memref<1024xf32, #tpu.memory_space<vmem>>, vector<16xf32>,
          tpu.vector_store %arg11[%swap3A_159], %gather3A_154 {strides = array<i32>} : memref<1024xf32, #tpu.memory_space<vmem>>, vector<16xf32>,
          %mul3A_161 = arith.constant 64 : i32
          %mul3A_162 = arith.muli %and3A_112, %mul3A_161 : i32
          %mul3A_163 = arith.constant 64 : i32
          %mul3A_164 = arith.muli %squeeze3A_107, %mul3A_163 : i32
          %multiple_of3A = tpu.assume_multiple %mul3A_164, 64 : i32
          %dma_start3A = tpu.memref_slice %arg11[%mul3A_162] : memref<1024xf32, #tpu.memory_space<vmem>> -> memref<64xf32, #tpu.memory_space<vmem>>
          %dma_start3A_165 = tpu.memref_slice %arg4[%multiple_of3A] : memref<1048576xf32, #tpu.memory_space<hbm>> -> memref<64xf32, #tpu.memory_space<hbm>>
          %dma_start3A_166 = tpu.memref_slice %arg4[%multiple_of3A] : memref<1048576xf32, #tpu.memory_space<hbm>> -> memref<64xf32, #tpu.memory_space<hbm>>
          %dma_start3A_167 = tpu.memref_slice %arg11[%mul3A_162] : memref<1024xf32, #tpu.memory_space<vmem>> -> memref<64xf32, #tpu.memory_space<vmem>>
          tpu.enqueue_dma source(%dma_start3A_167 : memref<64xf32, #tpu.memory_space<vmem>>) target(%dma_start3A_166 : memref<64xf32, #tpu.memory_space<hbm>>) target_semaphore(%arg15 : memref<!tpu.dma_semaphore, #tpu.memory_space<semaphore_mem>>)
          %add3A_168 = arith.constant 1 : i32
          %add3A_169 = arith.addi %get3A_110, %add3A_168 : i32
          %swap3A_170 = arith.constant 0 : i32
          %swap3A_171 = arith.index_cast %swap3A_170 : i32 to index
          %swap3A_172 = memref.load %arg12[%swap3A_171] : memref<2xi32, #tpu.memory_space<smem>>
          memref.store %add3A_169, %arg12[%swap3A_171] : memref<2xi32, #tpu.memory_space<smem>>
          %xor3A_173 = vector.broadcast %while3A_92 : i32 to vector<16xi32>
          %xor3A_174 = arith.xori %iota3A, %xor3A_173 : vector<16xi32>
          %sub3A_175 = arith.constant 1 : i32
          %sub3A_176 = vector.broadcast %sub3A_175 : i32 to vector<16xi32>
          %sub3A_177 = arith.subi %xor3A_174, %sub3A_176 : vector<16xi32>
          %shift_right_arithmetic3A_178 = arith.constant 31 : i32
          %shift_right_arithmetic3A_179 = vector.broadcast %shift_right_arithmetic3A_178 : i32 to vector<16xi32>
          %shift_right_arithmetic3A_180 = arith.shrsi %sub3A_177, %shift_right_arithmetic3A_179 : vector<16xi32>
          %and3A_181 = arith.constant 1 : i32
          %and3A_182 = vector.broadcast %and3A_181 : i32 to vector<16xi32>
          %and3A_183 = arith.andi %shift_right_arithmetic3A_180, %and3A_182 : vector<16xi32>
          %sub3A_184 = arith.constant 1 : i32
          %sub3A_185 = vector.broadcast %sub3A_184 : i32 to vector<16xi32>
          %sub3A_186 = arith.subi %sub3A_185, %and3A_183 : vector<16xi32>
          %mul3A_187 = arith.muli %while3A_91, %sub3A_186 : vector<16xi32>
          %eq3A_188 = arith.constant 1 : i32
          %eq3A_189 = vector.broadcast %eq3A_188 : i32 to vector<16xi32>
          %eq3A_190 = arith.cmpi eq, %mul3A_187, %eq3A_189 : vector<16xi32>
          %all_reduce_ffs3A_191 = tpu.all_reduce %eq3A_190 {dim = 0 : i64, kind = #tpu.reduction_kind<find_first_set>} : vector<16xi1> -> vector<16xi32>
          %slice3A_192 = vector.extract_strided_slice %all_reduce_ffs3A_191 {offsets = [0], sizes = [1], strides = [1]} : vector<16xi32> to vector<1xi32>
          %squeeze3A_193 = vector.extract %slice3A_192[0] : i32 from vector<1xi32>
          scf.yield %mul3A_187, %squeeze3A_193 : vector<16xi32>, i32
        }
      }
      %while3A_65 = arith.constant 1 : i32
      scf.for %while3A_66 = %while3A_63 to %while3A_59 step %while3A_65  : i32 {
        %mul3A_67 = arith.constant 16 : i32
        %mul3A_68 = arith.muli %while3A_66, %mul3A_67 : i32
        %get3A_69 = arith.index_cast %mul3A_68 : i32 to index
        %get3A_70 = tpu.vector_load %arg6[%get3A_69] {strides = array<i32>} : memref<16416xi32, #tpu.memory_space<vmem>>, vector<16xi32>,
        %shift_right_arithmetic3A = arith.constant 9 : i32
        %shift_right_arithmetic3A_71 = vector.broadcast %shift_right_arithmetic3A : i32 to vector<16xi32>
        %shift_right_arithmetic3A_72 = arith.shrsi %get3A_70, %shift_right_arithmetic3A_71 : vector<16xi32>
        %xor3A = vector.broadcast %while3A_56 : i32 to vector<16xi32>
        %xor3A_73 = arith.xori %shift_right_arithmetic3A_72, %xor3A : vector<16xi32>
        %sub3A_74 = arith.constant 1 : i32
        %sub3A_75 = vector.broadcast %sub3A_74 : i32 to vector<16xi32>
        %sub3A_76 = arith.subi %xor3A_73, %sub3A_75 : vector<16xi32>
        %shift_right_arithmetic3A_77 = arith.constant 31 : i32
        %shift_right_arithmetic3A_78 = vector.broadcast %shift_right_arithmetic3A_77 : i32 to vector<16xi32>
        %shift_right_arithmetic3A_79 = arith.shrsi %sub3A_76, %shift_right_arithmetic3A_78 : vector<16xi32>
        %and3A_80 = arith.constant 1 : i32
        %and3A_81 = vector.broadcast %and3A_80 : i32 to vector<16xi32>
        %and3A_82 = arith.andi %shift_right_arithmetic3A_79, %and3A_81 : vector<16xi32>
        %eq3A_83 = arith.constant 1 : i32
        %eq3A_84 = vector.broadcast %eq3A_83 : i32 to vector<16xi32>
        %eq3A_85 = arith.cmpi eq, %and3A_82, %eq3A_84 : vector<16xi32>
        %all_reduce_ffs3A = tpu.all_reduce %eq3A_85 {dim = 0 : i64, kind = #tpu.reduction_kind<find_first_set>} : vector<16xi1> -> vector<16xi32>
        %slice3A = vector.extract_strided_slice %all_reduce_ffs3A {offsets = [0], sizes = [1], strides = [1]} : vector<16xi32> to vector<1xi32>
        %squeeze3A = vector.extract %slice3A[0] : i32 from vector<1xi32>
        %mul3A_86 = arith.constant 16 : i32
        %mul3A_87 = arith.muli %while3A_66, %mul3A_86 : i32
        %get3A_88 = arith.index_cast %mul3A_87 : i32 to index
        %get3A_89 = tpu.vector_load %arg7[%get3A_88] {strides = array<i32>} : memref<16416xi32, #tpu.memory_space<vmem>>, vector<16xi32>,
        %while3A_90:2 = scf.while (%while3A_91 = %and3A_82, %while3A_92 = %squeeze3A) : (vector<16xi32>, i32) -> (vector<16xi32>, i32) {
          %lt3A_93 = arith.constant 16 : i32
          %lt3A_94 = arith.cmpi slt, %while3A_92, %lt3A_93 : i32
          scf.condition(%lt3A_94) %while3A_91, %while3A_92 : vector<16xi32>, i32
        } do {
        ^bb0(%while3A_91: vector<16xi32>, %while3A_92: i32):
          %broadcast_in_dim3A_93 = arith.constant 0 : i32
          %broadcast_in_dim3A_94 = vector.broadcast %broadcast_in_dim3A_93 : i32 to vector<16xi32>
          %add3A_95 = vector.broadcast %while3A_92 : i32 to vector<16xi32>
          %add3A_96 = arith.addi %broadcast_in_dim3A_94, %add3A_95 : vector<16xi32>
          %broadcast_in_dim3A_97 = vector.shape_cast %add3A_96 : vector<16xi32> to vector<16x1xi32>
          %gather3A = vector.shape_cast %broadcast_in_dim3A_97 : vector<16x1xi32> to vector<16xi32>
          %gather3A_98 = tpu.dynamic_gather %get3A_70[%gather3A] in [0] : vector<16xi32>, vector<16xi32> -> vector<16xi32>
          %slice3A_99 = vector.extract_strided_slice %gather3A_98 {offsets = [0], sizes = [1], strides = [1]} : vector<16xi32> to vector<1xi32>
          %squeeze3A_100 = vector.extract %slice3A_99[0] : i32 from vector<1xi32>
          %and3A_101 = arith.constant 511 : i32
          %and3A_102 = arith.andi %squeeze3A_100, %and3A_101 : i32
          %broadcast_in_dim3A_103 = vector.shape_cast %add3A_96 : vector<16xi32> to vector<16x1xi32>
          %gather3A_104 = vector.shape_cast %broadcast_in_dim3A_103 : vector<16x1xi32> to vector<16xi32>
          %gather3A_105 = tpu.dynamic_gather %get3A_89[%gather3A_104] in [0] : vector<16xi32>, vector<16xi32> -> vector<16xi32>
          %slice3A_106 = vector.extract_strided_slice %gather3A_105 {offsets = [0], sizes = [1], strides = [1]} : vector<16xi32> to vector<1xi32>
          %squeeze3A_107 = vector.extract %slice3A_106[0] : i32 from vector<1xi32>
          %get3A_108 = arith.constant 0 : i32
          %get3A_109 = arith.index_cast %get3A_108 : i32 to index
          %get3A_110 = memref.load %arg12[%get3A_109] : memref<2xi32, #tpu.memory_space<smem>>
          %and3A_111 = arith.constant 15 : i32
          %and3A_112 = arith.andi %get3A_110, %and3A_111 : i32
          %ge3A = arith.constant 16 : i32
          %ge3A_113 = arith.cmpi sge, %get3A_110, %ge3A : i32
          %convert_element_type3A_114 = arith.extui %ge3A_113 : i1 to i32
          %cond3A_115 = arith.constant 0 : i32
          %cond3A_116 = arith.cmpi ne, %convert_element_type3A_114, %cond3A_115 : i32
          scf.if %cond3A_116 {
            %dma_wait3A = arith.constant 0 : i32
            %dma_wait3A_194 = tpu.memref_slice %arg11[%dma_wait3A] : memref<1024xf32, #tpu.memory_space<vmem>> -> memref<64xf32, #tpu.memory_space<vmem>>
            %dma_wait3A_195 = arith.constant 0 : i32
            %dma_wait3A_196 = tpu.memref_slice %arg4[%dma_wait3A_195] : memref<1048576xf32, #tpu.memory_space<hbm>> -> memref<64xf32, #tpu.memory_space<hbm>>
            %dma_wait3A_197 = arith.constant 0 : i32
            %dma_wait3A_198 = tpu.memref_slice %arg11[%dma_wait3A_197] : memref<1024xf32, #tpu.memory_space<vmem>> -> memref<64xf32, #tpu.memory_space<vmem>>
            %dma_wait3A_199 = arith.constant 0 : i32
            %dma_wait3A_200 = tpu.memref_slice %arg4[%dma_wait3A_199] : memref<1048576xf32, #tpu.memory_space<hbm>> -> memref<64xf32, #tpu.memory_space<hbm>>
            tpu.wait_dma2 semaphore(%arg15 : memref<!tpu.dma_semaphore, #tpu.memory_space<semaphore_mem>>) src(%dma_wait3A_200 : memref<64xf32, #tpu.memory_space<hbm>>) dst(%dma_wait3A_198 : memref<64xf32, #tpu.memory_space<vmem>>)
          } else {
          }
          %add3A_117 = arith.constant 0 : i32
          %add3A_118 = vector.broadcast %add3A_117 : i32 to vector<16xi32>
          %add3A_119 = arith.addi %iota3A, %add3A_118 : vector<16xi32>
          %broadcast_in_dim3A_120 = vector.broadcast %and3A_102 : i32 to vector<16xi32>
          %gather3A_121 = tpu.vector_load_idx %arg10[%add3A_119, %broadcast_in_dim3A_120] : memref<64x64xf32, #tpu.memory_space<vmem>>[vector<16xi32>, vector<16xi32>], vector<16xf32>,
          %mul3A_122 = arith.constant 64 : i32
          %mul3A_123 = arith.muli %and3A_112, %mul3A_122 : i32
          %add3A_124 = arith.constant 0 : i32
          %add3A_125 = arith.addi %mul3A_123, %add3A_124 : i32
          %swap3A_126 = arith.index_cast %add3A_125 : i32 to index
          %swap3A_127 = tpu.vector_load %arg11[%swap3A_126] {strides = array<i32>} : memref<1024xf32, #tpu.memory_space<vmem>>, vector<16xf32>,
          tpu.vector_store %arg11[%swap3A_126], %gather3A_121 {strides = array<i32>} : memref<1024xf32, #tpu.memory_space<vmem>>, vector<16xf32>,
          %add3A_128 = arith.constant 16 : i32
          %add3A_129 = vector.broadcast %add3A_128 : i32 to vector<16xi32>
          %add3A_130 = arith.addi %iota3A, %add3A_129 : vector<16xi32>
          %broadcast_in_dim3A_131 = vector.broadcast %and3A_102 : i32 to vector<16xi32>
          %gather3A_132 = tpu.vector_load_idx %arg10[%add3A_130, %broadcast_in_dim3A_131] : memref<64x64xf32, #tpu.memory_space<vmem>>[vector<16xi32>, vector<16xi32>], vector<16xf32>,
          %mul3A_133 = arith.constant 64 : i32
          %mul3A_134 = arith.muli %and3A_112, %mul3A_133 : i32
          %add3A_135 = arith.constant 16 : i32
          %add3A_136 = arith.addi %mul3A_134, %add3A_135 : i32
          %swap3A_137 = arith.index_cast %add3A_136 : i32 to index
          %swap3A_138 = tpu.vector_load %arg11[%swap3A_137] {strides = array<i32>} : memref<1024xf32, #tpu.memory_space<vmem>>, vector<16xf32>,
          tpu.vector_store %arg11[%swap3A_137], %gather3A_132 {strides = array<i32>} : memref<1024xf32, #tpu.memory_space<vmem>>, vector<16xf32>,
          %add3A_139 = arith.constant 32 : i32
          %add3A_140 = vector.broadcast %add3A_139 : i32 to vector<16xi32>
          %add3A_141 = arith.addi %iota3A, %add3A_140 : vector<16xi32>
          %broadcast_in_dim3A_142 = vector.broadcast %and3A_102 : i32 to vector<16xi32>
          %gather3A_143 = tpu.vector_load_idx %arg10[%add3A_141, %broadcast_in_dim3A_142] : memref<64x64xf32, #tpu.memory_space<vmem>>[vector<16xi32>, vector<16xi32>], vector<16xf32>,
          %mul3A_144 = arith.constant 64 : i32
          %mul3A_145 = arith.muli %and3A_112, %mul3A_144 : i32
          %add3A_146 = arith.constant 32 : i32
          %add3A_147 = arith.addi %mul3A_145, %add3A_146 : i32
          %swap3A_148 = arith.index_cast %add3A_147 : i32 to index
          %swap3A_149 = tpu.vector_load %arg11[%swap3A_148] {strides = array<i32>} : memref<1024xf32, #tpu.memory_space<vmem>>, vector<16xf32>,
          tpu.vector_store %arg11[%swap3A_148], %gather3A_143 {strides = array<i32>} : memref<1024xf32, #tpu.memory_space<vmem>>, vector<16xf32>,
          %add3A_150 = arith.constant 48 : i32
          %add3A_151 = vector.broadcast %add3A_150 : i32 to vector<16xi32>
          %add3A_152 = arith.addi %iota3A, %add3A_151 : vector<16xi32>
          %broadcast_in_dim3A_153 = vector.broadcast %and3A_102 : i32 to vector<16xi32>
          %gather3A_154 = tpu.vector_load_idx %arg10[%add3A_152, %broadcast_in_dim3A_153] : memref<64x64xf32, #tpu.memory_space<vmem>>[vector<16xi32>, vector<16xi32>], vector<16xf32>,
          %mul3A_155 = arith.constant 64 : i32
          %mul3A_156 = arith.muli %and3A_112, %mul3A_155 : i32
          %add3A_157 = arith.constant 48 : i32
          %add3A_158 = arith.addi %mul3A_156, %add3A_157 : i32
          %swap3A_159 = arith.index_cast %add3A_158 : i32 to index
          %swap3A_160 = tpu.vector_load %arg11[%swap3A_159] {strides = array<i32>} : memref<1024xf32, #tpu.memory_space<vmem>>, vector<16xf32>,
          tpu.vector_store %arg11[%swap3A_159], %gather3A_154 {strides = array<i32>} : memref<1024xf32, #tpu.memory_space<vmem>>, vector<16xf32>,
          %mul3A_161 = arith.constant 64 : i32
          %mul3A_162 = arith.muli %and3A_112, %mul3A_161 : i32
          %mul3A_163 = arith.constant 64 : i32
          %mul3A_164 = arith.muli %squeeze3A_107, %mul3A_163 : i32
          %multiple_of3A = tpu.assume_multiple %mul3A_164, 64 : i32
          %dma_start3A = tpu.memref_slice %arg11[%mul3A_162] : memref<1024xf32, #tpu.memory_space<vmem>> -> memref<64xf32, #tpu.memory_space<vmem>>
          %dma_start3A_165 = tpu.memref_slice %arg4[%multiple_of3A] : memref<1048576xf32, #tpu.memory_space<hbm>> -> memref<64xf32, #tpu.memory_space<hbm>>
          %dma_start3A_166 = tpu.memref_slice %arg4[%multiple_of3A] : memref<1048576xf32, #tpu.memory_space<hbm>> -> memref<64xf32, #tpu.memory_space<hbm>>
          %dma_start3A_167 = tpu.memref_slice %arg11[%mul3A_162] : memref<1024xf32, #tpu.memory_space<vmem>> -> memref<64xf32, #tpu.memory_space<vmem>>
          tpu.enqueue_dma source(%dma_start3A_167 : memref<64xf32, #tpu.memory_space<vmem>>) target(%dma_start3A_166 : memref<64xf32, #tpu.memory_space<hbm>>) target_semaphore(%arg15 : memref<!tpu.dma_semaphore, #tpu.memory_space<semaphore_mem>>)
          %add3A_168 = arith.constant 1 : i32
          %add3A_169 = arith.addi %get3A_110, %add3A_168 : i32
          %swap3A_170 = arith.constant 0 : i32
          %swap3A_171 = arith.index_cast %swap3A_170 : i32 to index
          %swap3A_172 = memref.load %arg12[%swap3A_171] : memref<2xi32, #tpu.memory_space<smem>>
          memref.store %add3A_169, %arg12[%swap3A_171] : memref<2xi32, #tpu.memory_space<smem>>
          %xor3A_173 = vector.broadcast %while3A_92 : i32 to vector<16xi32>
          %xor3A_174 = arith.xori %iota3A, %xor3A_173 : vector<16xi32>
          %sub3A_175 = arith.constant 1 : i32
          %sub3A_176 = vector.broadcast %sub3A_175 : i32 to vector<16xi32>
          %sub3A_177 = arith.subi %xor3A_174, %sub3A_176 : vector<16xi32>
          %shift_right_arithmetic3A_178 = arith.constant 31 : i32
          %shift_right_arithmetic3A_179 = vector.broadcast %shift_right_arithmetic3A_178 : i32 to vector<16xi32>
          %shift_right_arithmetic3A_180 = arith.shrsi %sub3A_177, %shift_right_arithmetic3A_179 : vector<16xi32>
          %and3A_181 = arith.constant 1 : i32
          %and3A_182 = vector.broadcast %and3A_181 : i32 to vector<16xi32>
          %and3A_183 = arith.andi %shift_right_arithmetic3A_180, %and3A_182 : vector<16xi32>
          %sub3A_184 = arith.constant 1 : i32
          %sub3A_185 = vector.broadcast %sub3A_184 : i32 to vector<16xi32>
          %sub3A_186 = arith.subi %sub3A_185, %and3A_183 : vector<16xi32>
          %mul3A_187 = arith.muli %while3A_91, %sub3A_186 : vector<16xi32>
          %eq3A_188 = arith.constant 1 : i32
          %eq3A_189 = vector.broadcast %eq3A_188 : i32 to vector<16xi32>
          %eq3A_190 = arith.cmpi eq, %mul3A_187, %eq3A_189 : vector<16xi32>
          %all_reduce_ffs3A_191 = tpu.all_reduce %eq3A_190 {dim = 0 : i64, kind = #tpu.reduction_kind<find_first_set>} : vector<16xi1> -> vector<16xi32>
          %slice3A_192 = vector.extract_strided_slice %all_reduce_ffs3A_191 {offsets = [0], sizes = [1], strides = [1]} : vector<16xi32> to vector<1xi32>
          %squeeze3A_193 = vector.extract %slice3A_192[0] : i32 from vector<1xi32>
          scf.yield %mul3A_187, %squeeze3A_193 : vector<16xi32>, i32
        }
      }
    } else {
    }
    %scan3A_50 = arith.constant 0 : i32
    %scan3A_51 = arith.constant 0 : i32
    %scan3A_52 = arith.constant 16 : i32
    %scan3A_53 = arith.addi %scan3A_51, %scan3A_52 : i32
    %scan3A_54 = arith.constant 1 : i32
    scf.for %scan3A_56 = %scan3A_51 to %scan3A_53 step %scan3A_54  : i32 {
      %get3A_57 = arith.constant 0 : i32
      %get3A_58 = arith.index_cast %get3A_57 : i32 to index
      %get3A_59 = memref.load %arg12[%get3A_58] : memref<2xi32, #tpu.memory_space<smem>>
      %min3A = arith.constant 16 : i32
      %min3A_60 = arith.minsi %get3A_59, %min3A : i32
      %lt3A_61 = arith.cmpi slt, %scan3A_56, %min3A_60 : i32
      %convert_element_type3A_62 = arith.extui %lt3A_61 : i1 to i32
      %cond3A_63 = arith.constant 0 : i32
      %cond3A_64 = arith.cmpi ne, %convert_element_type3A_62, %cond3A_63 : i32
      scf.if %cond3A_64 {
        %dma_wait3A = arith.constant 0 : i32
        %dma_wait3A_65 = tpu.memref_slice %arg11[%dma_wait3A] : memref<1024xf32, #tpu.memory_space<vmem>> -> memref<64xf32, #tpu.memory_space<vmem>>
        %dma_wait3A_66 = arith.constant 0 : i32
        %dma_wait3A_67 = tpu.memref_slice %arg4[%dma_wait3A_66] : memref<1048576xf32, #tpu.memory_space<hbm>> -> memref<64xf32, #tpu.memory_space<hbm>>
        %dma_wait3A_68 = arith.constant 0 : i32
        %dma_wait3A_69 = tpu.memref_slice %arg11[%dma_wait3A_68] : memref<1024xf32, #tpu.memory_space<vmem>> -> memref<64xf32, #tpu.memory_space<vmem>>
        %dma_wait3A_70 = arith.constant 0 : i32
        %dma_wait3A_71 = tpu.memref_slice %arg4[%dma_wait3A_70] : memref<1048576xf32, #tpu.memory_space<hbm>> -> memref<64xf32, #tpu.memory_space<hbm>>
        tpu.wait_dma2 semaphore(%arg15 : memref<!tpu.dma_semaphore, #tpu.memory_space<semaphore_mem>>) src(%dma_wait3A_71 : memref<64xf32, #tpu.memory_space<hbm>>) dst(%dma_wait3A_69 : memref<64xf32, #tpu.memory_space<vmem>>)
      } else {
      }
    }
    %scan3A_55 = arith.constant 16 : i32
    return
  }
}

</mosaic_0001>

<sc_bundles>
// kernel: kernel.3.cloned.1.call-start
scs
__scs_entry_jumppad:
0x0: {  	(pc) =	sbr.rel $0x88, $3  }
0x1: {  	(tag) =	ssettag $0x0;
	lr =	simm.s32 $0x1  }
0x2: {  	[smem:$0x3F9F] =	sst lr;
	_ =	strace $0xD0000000  }
0x3: {  	_ = 	snop  }
0x4: {  	_ = 	snop  }
0x5: {  	_ = 	snop  }
0x6: {  	_ = 	snop  }
0x7: {  	_ = 	snop  }
__scs_overlays_trampoline_lowered:
0x8: {  	[smem:$0x3FAE] =	sst s0  }
0x9: {  	[smem:$0x3FAF] =	sst s1  }
0xa: {  	[smem:$0x3FB0] =	sst s2  }
0xb: {  	[smem:$0x3FB1] =	sst s3  }
0xc: {  	[smem:$0x3FB2] =	sst s4  }
0xd: {  	[smem:$0x3FB3] =	sst s5  }
0xe: {  	[smem:$0x3FB4] =	sst s6  }
0xf: {  	[smem:$0x3FB5] =	sst s7  }
0x10: {  	[smem:$0x3FB6] =	sst s8  }
0x11: {  	[smem:$0x3FB7] =	sst s9;
	s0 =	simm.s32 @!p0 $0x0  }
0x12: {  	s1 =	sld [smem:$0x3F9D];
	s0 =	simm.s32 @p0 $0x1  }
0x13: {  	[smem:$0x3FB8] =	sst s0;
	s0 =	simm.s32 @!p1 $0x0  }
0x14: {  	s2 =	sld [smem:$0x3F9C];
	s0 =	simm.s32 @p1 $0x1  }
0x15: {  	[smem:$0x3FB9] =	sst s0;
	s0 =	simm.s32 @!p2 $0x0  }
0x16: {  	s3 =	sld [smem:$0x3FDB];
	s0 =	simm.s32 @p2 $0x1  }
0x17: {  	s4 =	simm.s32 $0x1BF5;
	[smem:$0x3FBB] =	sst s0  }
0x18: {  	s0 =	sld [smem:$0x3F9E];
	_ =	swait.ge [sflag:s4], $0x0  }
0x19: {  	s7 =	sld [smem:$0x3F9F]  }
0x1a: {  	s8 =	sadd.s32 $0xFFFFE003, lr  }
0x1b: {  	s9 =	sadd.s32 $0xFFFFFEF7, lr;
	s5 =	simm.s32 $0xFFFFFFFF;
	p2 =	slt.u32 s8, $0xFFFFF086  }
0x1c: {  	p1 =	slt.u32 s9, $0xF7A;
	s5 =	simm.s32 @!p2 $0x0  }
0x1d: {  	s5 =	simm.s32 @p1 $0x1;
	p0 =	seq.s32 s7, s2  }
0x1e: {  	s7 =	smul.u32 @!p0 $0xF7A, s2;
	p2 =	seq.s32 @!p0 s5, $0x0  }
0x1f: {  	s9 =	smul.u32 $0xF7A, s1;
	s8 =	simm.s32 @!p0 $0x1BF5;
	p2 =	por !p2, p0  }
0x20: {  	[sflag:s8] =	ssyncset.s32 @!p0 $0xFFFFF086;
	s6 =	sadd.s32 @!p0 s3, s7;
	s7 =	simm.s32 @!p0 $0x108  }
0x21: {  	s3 =	sadd.s32 s3, s9;
	s6 =	sadd.s32 @!p0 $0x88, s6;
	s7 =	simm.s32 @p2 $0x1082  }
0x22: {  	[simem:s7], [sflag:s8] =	dma.local @!p0 [hbm:s6], $0xF7A  }
0x23: {  	s9 =	sor.u32 $0xD0000000, s2;
	s6 =	simm.s32 $0x108;
	_ =	swait.ge @!p0 [sflag:s8], $0x0  }
0x24: {  	s3 =	sadd.s32 $0x88, s3;
	s6 =	simm.s32 @!p1 $0x1082;
	[sflag:s4] =	ssyncset.s32 $0xFFFFF086  }
0x25: {  	[simem:s6], [sflag:s4] =	dma.local [hbm:s3], $0xF7A  }
0x26: {  	[smem:$0x3F9F] =	sst s1;
	(tag) =	ssettag s2;
	_ =	strace s9  }
0x27: {  	s1 =	sld [smem:$0x3FAF]  }
0x28: {  	s2 =	sld [smem:$0x3FB0]  }
0x29: {  	s4 =	sld [smem:$0x3FB2]  }
0x2a: {  	p0 =	seq.s32 s5, $0x0;
	s5 =	sld [smem:$0x3FB3]  }
0x2b: {  	s6 =	sld [smem:$0x3FB4]  }
0x2c: {  	s7 =	sld [smem:$0x3FB5]  }
0x2d: {  	s3 =	simm.s32 $0x108;
	s8 =	sld [smem:$0x3FB6]  }
0x2e: {  	s3 =	simm.s32 @!p0 $0x1082;
	s9 =	sld [smem:$0x3FB7]  }
0x2f: {  	lr =	sadd.s32 s0, s3;
	s0 =	sld [smem:$0x3FAE]  }
0x30: {  	s3 =	sld [smem:$0x3FB1]  }
0x31: {  	[smem:$0x3FBA] =	sst s10  }
0x32: {  	s10 =	sld [smem:$0x3FB8];
	_ =	sdelay $0x3  }
0x33: {  	p0 =	seq.s32 s10, $0x1;
	s10 =	sld [smem:$0x3FBA];
	_ =	sdelay $0x3  }
0x34: {  	[smem:$0x3FBA] =	sst s10  }
0x35: {  	s10 =	sld [smem:$0x3FB9];
	_ =	sdelay $0x3  }
0x36: {  	p1 =	seq.s32 s10, $0x1;
	s10 =	sld [smem:$0x3FBA];
	_ =	sdelay $0x3  }
0x37: {  	[smem:$0x3FBA] =	sst s10  }
0x38: {  	s10 =	sld [smem:$0x3FBB]  }
0x39: {  	_ = 	snop;
	(pc) =	sbr.ind lr, $3  }
0x3a: {  	_ = 	snop  }
0x3b: {  	_ = 	snop  }
0x3c: {  	p2 =	seq.s32 s10, $0x1;
	s10 =	sld [smem:$0x3FBA]  }
0x3d: {  	_ =	shalt  }
0x3e: {  	_ =	shalt  }
0x3f: {  	_ =	shalt  }
0x40: {  	_ =	shalt  }
0x41: {  	_ =	shalt  }
0x42: {  	_ =	shalt  }
0x43: {  	_ =	shalt  }
0x44: {  	_ =	shalt  }
0x45: {  	_ =	shalt  }
0x46: {  	_ =	shalt  }
0x47: {  	_ =	shalt  }
0x48: {  	_ =	shalt  }
0x49: {  	_ =	shalt  }
0x4a: {  	_ =	shalt  }
0x4b: {  	_ =	shalt  }
0x4c: {  	_ =	shalt  }
0x4d: {  	_ =	shalt  }
0x4e: {  	_ =	shalt  }
0x4f: {  	_ =	shalt  }
0x50: {  	_ =	shalt  }
0x51: {  	_ =	shalt  }
0x52: {  	_ =	shalt  }
0x53: {  	_ =	shalt  }
0x54: {  	_ =	shalt  }
0x55: {  	_ =	shalt  }
0x56: {  	_ =	shalt  }
0x57: {  	_ =	shalt  }
0x58: {  	_ =	shalt  }
0x59: {  	_ =	shalt  }
0x5a: {  	_ =	shalt  }
0x5b: {  	_ =	shalt  }
0x5c: {  	_ =	shalt  }
0x5d: {  	_ =	shalt  }
0x5e: {  	_ =	shalt  }
0x5f: {  	_ =	shalt  }
0x60: {  	_ =	shalt  }
0x61: {  	_ =	shalt  }
0x62: {  	_ =	shalt  }
0x63: {  	_ =	shalt  }
0x64: {  	_ =	shalt  }
0x65: {  	_ =	shalt  }
0x66: {  	_ =	shalt  }
0x67: {  	_ =	shalt  }
0x68: {  	_ =	shalt  }
0x69: {  	_ =	shalt  }
0x6a: {  	_ =	shalt  }
0x6b: {  	_ =	shalt  }
0x6c: {  	_ =	shalt  }
0x6d: {  	_ =	shalt  }
0x6e: {  	_ =	shalt  }
0x6f: {  	_ =	shalt  }
0x70: {  	_ =	shalt  }
0x71: {  	_ =	shalt  }
0x72: {  	_ =	shalt  }
0x73: {  	_ =	shalt  }
0x74: {  	_ =	shalt  }
0x75: {  	_ =	shalt  }
0x76: {  	_ =	shalt  }
0x77: {  	_ =	shalt  }
0x78: {  	_ =	shalt  }
0x79: {  	_ =	shalt  }
0x7a: {  	_ =	shalt  }
0x7b: {  	_ =	shalt  }
0x7c: {  	_ =	shalt  }
0x7d: {  	_ =	shalt  }
0x7e: {  	_ =	shalt  }
0x7f: {  	_ =	shalt  }
0x80: {  	_ =	shalt  }
0x81: {  	_ =	shalt  }
0x82: {  	_ =	shalt  }
0x83: {  	_ =	shalt  }
0x84: {  	_ =	shalt  }
0x85: {  	_ =	shalt  }
0x86: {  	_ =	shalt  }
0x87: {  	_ =	shalt  }
.Lfunc_end0:
.L_simem_size_0:
called_computation_lowered:
.L_overlay_start_0:
0x88: {  	s2 =	sld [smem:$0x3FD9]  }
0x89: {  	s3 =	sld [smem:$0x3FFE];
	_ =	sdelay $0x1  }
0x8a: {  	s1 =	srdreg.scid  }
0x8b: {  	s0 =	sand.u32 $0x1, s1  }
0x8c: {  	s18 =	sshll.u32 s0, $0xA;
	s2 =	sadd.s32 s3, s2  }
0x8d: {  	s2 =	sadd.s32 s2, s18  }
0x8e: {  	[smem:$0x3FC6] =	sst s2  }
0x8f: {  	_ = 	snop  }
0x90: {  	s2 =	sld [smem:$0x3FC9]  }
0x91: {  	s19 =	sld [smem:$0x3FC8]  }
0x92: {  	s4 =	sld [smem:$0x3FD0];
	(tm) =	ssettm $0x1  }
0x93: {  	s5 =	sld [smem:$0x3FFB];
	_ =	sdelay $0x3  }
0x94: {  	_ =	strace s5  }
0x95: {  	s5 =	sld [smem:$0x3FFC];
	_ =	sdelay $0x3  }
0x96: {  	_ =	strace s5  }
0x97: {  	s5 =	sld [smem:$0x3FFD];
	_ =	sdelay $0x3  }
0x98: {  	_ =	strace s5  }
0x99: {  	_ =	strace $0x8FFFFFFF  }
0x9a: {  	s20 =	sld [smem:$0x3FDB];
	_ =	sdelay $0x1  }
0x9b: {  	s6 =	simm.s32 $_scs_section_size  }
0x9c: {  	s7 =	simm.s32 $_size__tile_overlayer_lowered;
	s8 =	simm.s32 $_tile_overlayer_lowered  }
0x9d: {  	s23 =	simm.s32 $0x1BFF;
	s22 =	sshll.u32 s8, $0x1;
	s5 =	sadd.s32 s6, s20  }
0x9e: {  	s9 =	simm.s32 $0x0;
	s21 =	sshll.u32 s7, $0x1;
	s7 =	sadd.s32 s22, s5  }
0x9f: {  	[timem:s9], [sflag:s23] =	dma.local [hbm:s7], s21  }
0xa0: {  	_ =	swait.ge [sflag:s23], s21  }
0xa1: {  	s6 =	ssub.s32 $0x0, s21;
	[sflag:s23] =	ssyncset.done $0x0  }
0xa2: {  	[sflag:s23] =	ssyncadd.s32 s6;
	_ =	sdelay $0x1  }
0xa3: {  	s24 =	simm.s32 $0x1B8B  }
0xa4: {  	_ =	swait.ge [sflag:s24], $0x1  }
0xa5: {  	[sflag:s24] =	ssyncset.done $0x0  }
0xa6: {  	s25 =	simm.s32 $0x1B8E;
	[sflag:s24] =	ssyncadd.s32 $0xFFFFFFFF  }
0xa7: {  	s26 =	simm.s32 $execute0_lowered;
	[smem:$0x3FD2] =	sst s25  }
0xa8: {  	s6 =	sshll.u32 s26, $0x1;
	_ =	strace $0x80000046;
	[dreg:$0x1] =	wrdreg $0xFFFFFFFF  }
0xa9: {  	s28 =	simm.s32 $_size_execute0_lowered;
	s5 =	sadd.s32 s5, s6;
	[dreg:$0x0] =	wrdreg $0x0  }
0xaa: {  	s6 =	sshll.u32 s28, $0x1;
	[dreg:$0x2] =	wrdreg s5  }
0xab: {  	[dreg:$0x3] =	wrdreg s6  }
0xac: {  	[dreg:$0x4] =	wrdreg $0xC0  }
0xad: {  	_ =	task [dreg:s9], $0x5FFFF  }
0xae: {  	[dreg:$0x1] =	wrdreg $0xFFFFFFFF  }
0xaf: {  	[dreg:$0x0] =	wrdreg $0x60  }
0xb0: {  	[dreg:$0x2] =	wrdreg s2  }
0xb1: {  	[dreg:$0x3] =	wrdreg s19  }
0xb2: {  	[dreg:$0x4] =	wrdreg s4  }
0xb3: {  	[dreg:$0x5] =	wrdreg $0x9  }
0xb4: {  	_ =	task.clear_ibuf [dreg:s9], $0x6FFFF;
	_ =	strace $0x90000046  }
0xb5: {  	s29 =	simm.s32 $0x9;
	_ =	strace $0x80000048  }
0xb6: {  	_ =	swait.ge [sflag:s29], $0x1  }
0xb7: {  	[sflag:s29] =	ssyncadd.s32 $0xFFFFFFFF  }
0xb8: {  	_ =	strace $0x90000048  }
0xb9: {  	_ =	sfence  }
0xba: {  	s30 =	sld [smem:$0x0];
	_ =	sdelay $0x2  }
0xbb: {  	s31 =	sshll.u32 s1, $0xD;
	s1 =	sshrl.u32 s1, $0x2  }
0xbc: {  	s3 =	sand.u32 $0x4000, s31;
	s1 =	sadd.s32 s1, s30  }
0xbd: {  	s0 =	sor.u32 s3, s0;
	s1 =	sshll.u32 s1, $0x11  }
0xbe: {  	s0 =	sor.u32 s1, s0  }
0xbf: {  	s0 =	sadd.s32 $0x8F2B, s0  }
0xc0: {  	[sflag:s0] =	ssyncadd.remote.s32 $0x1  }
0xc1: {  	_ =	sfence.sel $0xFFFF  }
0xc2: {  	[dreg:$0x0] =	wrdreg $0xFFFFFFFF;
	(pc) =	sbr.abs _section_cstart, $3  }
0xc3: {  	[dreg:$0x1] =	wrdreg $0xFFFFFFFF  }
0xc4: {  	_ =	task.clear_ibuf [dreg:s9], $0x2FFFF;
	_ =	strace $0x9FFFFFFF  }
0xc5: {  	(tm) =	ssettm $0x7FFFFFFF  }
tec
execute0_lowered:
.L_overlay_start_1:
0x0: {  	(tag) =	ssettag $0x1  }
0x1: {  	v0 =	vimm.s32 $0xEDCBA987  }
0x2: {  	v1 =	vimm.s32 $0x65432100;
	v3 =	vimm.s32 $0x54321000;
	v4 =	vimm.s32 $0xBA987654  }
0x3: {  	v5 =	vimm.s32 $0x32100000;
	vm4 =	vcmask $0x300;
	v7 =	vimm.s32 $0xFFFFFFFF  }
0x4: {  	vm0 =	vcmask $0x700;
	vm7 =	vcmask $0xF00;
	vm11 =	vcmask $0x704  }
0x5: {  	v8 =	vimm.s32 $0xE40000;
	vm12 =	vcmask $0xB08;
	vm13 =	vcmask $0xF0C  }
0x6: {  	vm14 =	vcmask $0x1310;
	vm10 =	vcmask $0x1714;
	vm9 =	vcmask $0x1B18  }
0x7: {  	vm8 =	vcmask $0x1F1C;
	vm6 =	vcmask $0x2724;
	vm15 =	vcmask $0x3F30  }
0x8: {  	vm5 =	vcmask $0x2B28;
	vm3 =	vcmask $0x2F2C;
	vm2 =	vcmask $0x3330  }
0x9: {  	vm1 =	vcmask $0x3734;
	v12 =	vimm.s32 $0x3380;
	v13 =	vimm.s32 $0x5380  }
0xa: {  	v14 =	vimm.s32 $0x7380;
	v0 =	vunpack.c.l.s4.s8 v0;
	v1 =	vunpack.c.l.s4.s8 v1  }
0xb: {  	v3 =	vunpack.c.l.s4.s8 v3;
	v4 =	vunpack.c.l.s4.s8 v4;
	v5 =	vunpack.c.l.s4.s8 v5  }
0xc: {  	v8 =	vunpack.c.l.s2.s4 v8;
	v12 =	vsel vm4, $0x2000, v12;
	v13 =	vsel vm4, $0x4000, v13  }
0xd: {  	v14 =	vsel vm4, $0x6000, v14;
	v12 =	vsel vm11, $0x2080, v12;
	v13 =	vsel vm11, $0x4080, v13  }
0xe: {  	v14 =	vsel vm11, $0x6080, v14;
	v0 =	vunpack.c.0.s8.s32 v0;
	v1 =	vunpack.c.0.s8.s32 v1  }
0xf: {  	v3 =	vunpack.c.0.s8.s32 v3;
	v4 =	vunpack.c.0.s8.s32 v4;
	v5 =	vunpack.c.0.s8.s32 v5  }
0x10: {  	s1 =	srdreg.scid;
	s0 =	stileid.u32;
	v8 =	vunpack.c.l.s4.s8 v8;
	v12 =	vsel vm12, $0x2100, v12;
	v13 =	vsel vm12, $0x4100, v13  }
0x11: {  	s7 =	sand.u32 $0x1, s1;
	s31 =	sshll.u32 s0, $0x1;
	v14 =	vsel vm12, $0x6100, v14;
	v12 =	vsel vm13, $0x2180, v12;
	v2 =	vand.u32 $0xF, v0  }
0x12: {  	s1 =	sor.u32 s7, s31;
	v13 =	vsel vm13, $0x4180, v13;
	v1 =	vcombine.low v1, v2;
	v2 =	vimm.s32 $0xDCBA9876  }
0x13: {  	v14 =	vsel vm13, $0x6180, v14;
	v0 =	vmov s1;
	v2 =	vunpack.c.l.s4.s8 v2  }
0x14: {  	v8 =	vunpack.c.0.s8.s32 v8;
	v12 =	vsel vm14, $0x2200, v12;
	v13 =	vsel vm14, $0x4200, v13  }
0x15: {  	v14 =	vsel vm14, $0x6200, v14;
	v12 =	vsel vm10, $0x2280, v12;
	v6 =	vunpack.c.0.s8.s32 v2  }
0x16: {  	v13 =	vsel vm10, $0x4280, v13;
	v14 =	vsel vm10, $0x6280, v14;
	v8 =	vand.u32 $0x3, v8  }
0x17: {  	v12 =	vsel vm9, $0x2300, v12;
	v13 =	vsel vm9, $0x4300, v13;
	v6 =	vand.u32 $0xF, v6  }
0x18: {  	v14 =	vsel vm9, $0x6300, v14;
	v3 =	vcombine.low v3, v6;
	v6 =	vand.u32 $0xF, v4  }
0x19: {  	v12 =	vsel vm8, $0x2380, v12;
	v5 =	vcombine.low v5, v6;
	v6 =	vimm.s32 $0x1380  }
0x1a: {  	v13 =	vsel vm8, $0x4380, v13;
	v14 =	vsel vm8, $0x6380, v14;
	v6 =	vsel vm4, $0x0, v6  }
0x1b: {  	v2 =	vsel vm4, $0x0, v7;
	v4 =	vsel vm0, $0x0, v7;
	v6 =	vsel vm11, $0x80, v6  }
0x1c: {  	v9 =	vsel vm12, $0x100, v6;
	v6 =	vsel vm7, $0x0, v7;
	vm7 =	vcmask $0x2320  }
0x1d: {  	v7 =	vsel vm13, $0x180, v9;
	v9 =	vimm.s32 $0x7060504;
	v12 =	vsel vm7, $0x3000, v12  }
0x1e: {  	v13 =	vsel vm7, $0x5000, v13;
	v14 =	vsel vm7, $0x7000, v14;
	v7 =	vsel vm14, $0x200, v7  }
0x1f: {  	v9 =	vunpack.c.0.s8.s32 v9;
	v12 =	vsel vm6, $0x3080, v12;
	v13 =	vsel vm6, $0x5080, v13  }
0x20: {  	s2 =	rddreg [dreg:$0x0];
	v14 =	vsel vm6, $0x7080, v14;
	v7 =	vsel vm10, $0x280, v7;
	v12 =	vsel vm5, $0x3100, v12  }
0x21: {  	s3 =	rddreg [dreg:$0x1];
	v13 =	vsel vm5, $0x5100, v13;
	v14 =	vsel vm5, $0x7100, v14;
	v7 =	vsel vm9, $0x300, v7  }
0x22: {  	s5 =	rddreg [dreg:$0x2];
	v12 =	vsel vm3, $0x3180, v12;
	v13 =	vsel vm3, $0x5180, v13;
	v7 =	vsel vm8, $0x380, v7  }
0x23: {  	s6 =	simm.s32 $0x0;
	s11 =	simm.s32 $0x4;
	s12 =	simm.s32 $0x4000;
	v14 =	vsel vm3, $0x7180, v14;
	v12 =	vsel vm2, $0x3200, v12;
	v7 =	vsel vm7, $0x1000, v7  }
0x24: {  	s13 =	simm.s32 $0x8080;
	s14 =	simm.s32 $0x1;
	s15 =	simm.s32 $0x1000;
	v15 =	vsel vm1, $0x3280, v12;
	v12 =	vsel vm2, $0x5200, v13;
	v13 =	vsel vm2, $0x7200, v14  }
0x25: {  	s16 =	simm.s32 $0x7A1400;
	s17 =	simm.s32 $0xC100;
	s18 =	simm.s32 $0x14100;
	v10 =	vsel vm6, $0x1080, v7;
	v7 =	vsel vm15, v9, v8;
	v8 =	vlaneseq.u32  }
0x26: {  	s19 =	simm.s32 $0x1C100;
	s20 =	simm.s32 $0x3;
	s21 =	simm.s32 $0x0;
	vm15 =	vcmask $0x3B38;
	v14 =	vsel vm1, $0x5280, v12;
	v16 =	vsel vm1, $0x7280, v13  }
.Ltmp0:
0x27: {  	[smem:$0x7FF] =	sst s6;
	s7 =	ssub.s32 $0x2, s7;
	v9 =	vsel vm5, $0x1100, v10;
	v10 =	vshrl.u32 v8, $0x3;
	v12 =	vmul.u32 $0x80, v8;
	(pc) =	sbr.rel .LBB2_1-.Ltmp0, $4  }
0x28: {  	_ =	strace $0x80000047;
	s8 =	sshrl.u32 s7, $0x1;
	p4 =	sne.s32 s1, $0x1;
	v13 =	vsel vm15, $0x3300, v15;
	v14 =	vsel vm15, $0x5300, v14;
	v9 =	vsel vm3, $0x1180, v9  }
0x29: {  	s9 =	sshll.u32 s1, $0x9;
	s10 =	ssub.s32 s7, s8;
	s4 =	simm.s32 @!p4 $0x0;
	v15 =	vsel vm15, $0x7300, v16;
	v11 =	vsel vm2, $0x1200, v9;
	v9 =	vmul.u32 $0xFFFFFFFF, v10  }
0x2a: {  	s7 =	sadd.s32 s3, s9;
	s8 =	sadd.s32 $0x8000, s3;
	s4 =	simm.s32 @p4 $0x1;
	v10 =	vimm.s32 $0x40000000;
	v16 =	vor.u32 $0x800, v12;
	v11 =	vsel vm1, $0x1280, v11  }
0x2b: {  	s9 =	sadd.s32 $0xF4200, s3;
	s10 =	smax.u32 s10, $0x1;
	[smem:$0x7FD] =	sst s4;
	v17 =	vor.u32 $0x1000, v12;
	v18 =	vor.u32 $0x1800, v12;
	v11 =	vsel vm15, $0x1300, v11  }
.LBB2_26:
0x2c: {  	s21 =	sadd.s32 $0x1, s21  }
0x2d: {  	p0 =	sne.s32 s21, s10  }
.Ltmp1:
0x2e: {  	_ = 	snop;
	(pc) =	sbr.rel @!p0 .LBB2_27-.Ltmp1, $1  }
0x2f: {  	_ =	sdelay $0x3  }
.LBB2_1:
0x30: {  	[smem:$0x0] =	sst s6  }
0x31: {  	[tilespmem:s6], [sflag:$0x4] =	stream.linear.gather [hbm4b:s2+s6], $0x4000, $0x38;
	[tilespmem:$0x1E500] =	vst v63  }
0x32: {  	_ =	swait.ge [sflag:s11], $0x4000  }
0x33: {  	[sflag:s11] =	ssyncset.done $0x0  }
0x34: {  	s23 =	simm.s32 $0xFFFFFFFE;
	s24 =	simm.s32 $0x10;
	[sflag:s11] =	ssyncadd.s32 $0xFFFFC000  }
0x35: {  	s25 =	simm.s32 $0x10;
	s22 =	simm.s32 $0x0;
	[smem:$0x1] =	sst s6  }
.LBB2_2:
0x36: {  	v19 =	vld [tilespmem:s25+$0xFFFFFFF0];
	_ =	sdelay $0x4  }
0x37: {  	v20 =	vshrl.u32 v19, $0x9  }
0x38: {  	v20 =	vand.u32 $0x1F, v20  }
0x39: {  	vm0 =	veq.s32 v20, v0  }
0x3a: {  	v21 =	vmpcnt.ones.xlane vm0;
	_ =	sdelay $0x1  }
0x3b: {  	(v2sf) =	vpush v21, $0x0;
	_ =	sdelay $0xe  }
0x3c: {  	s26 =	spop (v2sf)  }
0x3d: {  	p1 =	slt.s32 s26, $0x1  }
0x3e: {  	v20 =	vxor.u32 @!p1 v0, v20  }
0x3f: {  	v20 =	vadd.s32 @!p1 $0xFFFFFFFF, v20  }
0x40: {  	v20 =	vshrl.u32 @!p1 v20, $0x1F  }
0x41: {  	v21 =	vperm.xlane @!p1 v20, v1;
	_ =	sdelay $0x1  }
0x42: {  	v21 =	vand.u32 @!p1 v2, v21  }
0x43: {  	v21 =	vadd.s32 @!p1 v20, v21  }
0x44: {  	v22 =	vperm.xlane @!p1 v21, v3;
	_ =	sdelay $0x1  }
0x45: {  	v22 =	vand.u32 @!p1 v4, v22  }
0x46: {  	v21 =	vadd.s32 @!p1 v22, v21  }
0x47: {  	v22 =	vperm.xlane @!p1 v21, v5;
	_ =	sdelay $0x1  }
0x48: {  	v22 =	vand.u32 @!p1 v6, v22  }
0x49: {  	v21 =	vadd.s32 @!p1 v22, v21  }
0x4a: {  	v22 =	vperm.xlane @!p1 v21, v7;
	_ =	sdelay $0x1  }
0x4b: {  	v22 =	vand.u32 @!p1 v9, v22  }
0x4c: {  	v21 =	vadd.s32 @!p1 v22, v21;
	v22 =	vmov @!p1 s22  }
0x4d: {  	v22 =	vadd.s32 @!p1 $0xFFFFFFFF, v22  }
0x4e: {  	v22 =	vbroadcast @!p1 v22, $0x0  }
0x4f: {  	v20 =	vxor.u32 @!p1 $0x1, v20  }
0x50: {  	v20 =	vmul.u32 @!p1 $0x401F, v20;
	(v2sf) =	vpush @!p1 v21, $0xF;
	v21 =	vadd.s32 @!p1 v21, v22  }
0x51: {  	v21 =	vnsel @!p1 vm0, $0x0, v21  }
0x52: {  	v20 =	vadd.s32 @!p1 v20, v21;
	_ =	sdelay $0x3  }
0x53: {  	s26 =	sadd.s32 @!p1 $0xFFFFFFF0, s24  }
0x54: {  	v21 =	vor.u32 @!p1 s26, v8;
	[tilespmem:v20+s12+$0x0] =	vst.idx.msk @!p1 $0xffff, v19  }
0x55: {  	[tilespmem:v20+s13+$0x0] =	vst.idx.msk @!p1 $0xffff, v21  }
0x56: {  	v19 =	vld [tilespmem:s25+$0x0];
	_ =	sdelay $0x4  }
0x57: {  	v20 =	vshrl.u32 v19, $0x9  }
0x58: {  	v20 =	vand.u32 $0x1F, v20  }
0x59: {  	vm0 =	veq.s32 v20, v0  }
0x5a: {  	v63 =	vmpcnt.ones.xlane vm0;
	_ =	sdelay $0x1  }
0x5b: {  	s28 =	spop @!p1 (v2sf);
	(v2sf) =	vpush v63, $0x0;
	_ =	sdelay $0xe  }
0x5c: {  	s22 =	sadd.s32 @!p1 s22, s28;
	s31 =	spop (v2sf)  }
0x5d: {  	[smem:$0x1] =	sst @!p1 s22;
	p1 =	slt.s32 s31, $0x1  }
0x5e: {  	v20 =	vxor.u32 @!p1 v0, v20  }
0x5f: {  	v20 =	vadd.s32 @!p1 $0xFFFFFFFF, v20  }
0x60: {  	v20 =	vshrl.u32 @!p1 v20, $0x1F  }
0x61: {  	v21 =	vperm.xlane @!p1 v20, v1;
	_ =	sdelay $0x1  }
0x62: {  	v21 =	vand.u32 @!p1 v2, v21  }
0x63: {  	v21 =	vadd.s32 @!p1 v20, v21  }
0x64: {  	v22 =	vperm.xlane @!p1 v21, v3;
	_ =	sdelay $0x1  }
0x65: {  	v22 =	vand.u32 @!p1 v4, v22  }
0x66: {  	v21 =	vadd.s32 @!p1 v22, v21  }
0x67: {  	v22 =	vperm.xlane @!p1 v21, v5;
	_ =	sdelay $0x1  }
0x68: {  	v22 =	vand.u32 @!p1 v6, v22  }
0x69: {  	v21 =	vadd.s32 @!p1 v22, v21  }
0x6a: {  	v22 =	vperm.xlane @!p1 v21, v7;
	_ =	sdelay $0x1  }
0x6b: {  	v22 =	vand.u32 @!p1 v9, v22  }
0x6c: {  	v21 =	vadd.s32 @!p1 v22, v21  }
0x6d: {  	(v2sf) =	vpush @!p1 v21, $0xF;
	_ =	sdelay $0x4  }
0x6e: {  	v22 =	vmov @!p1 s22  }
0x6f: {  	v22 =	vadd.s32 @!p1 $0xFFFFFFFF, v22  }
0x70: {  	v22 =	vbroadcast @!p1 v22, $0x0  }
0x71: {  	v20 =	vxor.u32 @!p1 $0x1, v20  }
0x72: {  	v20 =	vmul.u32 @!p1 $0x401F, v20;
	v21 =	vadd.s32 @!p1 v21, v22  }
0x73: {  	v21 =	vnsel @!p1 vm0, $0x0, v21  }
0x74: {  	v20 =	vadd.s32 @!p1 v20, v21;
	_ =	sdelay $0x3  }
0x75: {  	s26 =	spop @!p1 (v2sf)  }
0x76: {  	s23 =	sadd.s32 $0x2, s23;
	[tilespmem:v20+s12+$0x0] =	vst.idx.msk @!p1 $0xffff, v19;
	v19 =	vor.u32 @!p1 s24, v8;
	s22 =	sadd.s32 @!p1 s22, s26  }
0x77: {  	[tilespmem:v20+s13+$0x0] =	vst.idx.msk @!p1 $0xffff, v19;
	[smem:$0x1] =	sst @!p1 s22;
	p1 =	slt.u32 s23, $0x3FE  }
.Ltmp2:
0x78: {  	_ = 	snop;
	(pc) =	sbr.rel @p1 .LBB2_2-.Ltmp2, $2  }
0x79: {  	_ =	sdelay $0x2  }
0x7a: {  	s25 =	sadd.s32 $0x20, s25;
	s24 =	sadd.s32 $0x20, s24  }
0x7b: {  	s23 =	sadd.s32 $0xF, s22  }
0x7c: {  	[tilespmem:s22+$0x4000] =	vst v10;
	s24 =	sand.u32 $0xF, s23  }
0x7d: {  	[tilespmem:s17], [sflag:$0x1] =	stream.strided.gather [hbm4b:s7+s15], $0x8000, s16, s15, $0x38;
	[tilespmem:$0x1E500] =	vst v63  }
0x7e: {  	s30 =	sshra.s32 s23, $0x1F;
	p2 =	slt.s32 s23, $0x1;
	p1 =	sne.s32 s24, $0x0  }
.Ltmp3:
0x7f: {  	s24 =	sshrl.u32 s30, $0x1C;
	p1 =	por !p2, !p1;
	(pc) =	sbr.rel .LBB2_4-.Ltmp3, $4  }
0x80: {  	s23 =	sadd.s32 s24, s23;
	s24 =	simm.s32 $0x1;
	p1 =	por !p1, !p1  }
0x81: {  	s31 =	sshra.s32 s23, $0x4;
	s24 =	simm.s32 @!p1 $0x0  }
0x82: {  	s23 =	ssub.s32 s31, s24  }
0x83: {  	s22 =	simm.s32 $0x0;
	s24 =	simm.s32 $0x0;
	p1 =	slt.s32 s23, $0x1  }
.LBB2_11:
0x84: {  	s22 =	smov.u32 @p2 s22  }
.LBB2_17:
0x85: {  	s24 =	sadd.s32 $0x1, s24  }
0x86: {  	p2 =	sne.s32 s24, $0x1F  }
.Ltmp4:
0x87: {  	_ = 	snop;
	(pc) =	sbr.rel @!p2 .LBB2_18-.Ltmp4, $1  }
0x88: {  	_ =	sdelay $0x3  }
.LBB2_4:
0x89: {  	s25 =	sshll.u32 s24, $0x6  }
0x8a: {  	s26 =	sor.u32 s1, s25  }
.Ltmp5:
0x8b: {  	_ =	swait.ge [sflag:s14], $0x8000;
	s25 =	sor.u32 $0x20, s26;
	(pc) =	sbr.rel @p1 .LBB2_10-.Ltmp5, $4  }
0x8c: {  	[sflag:s14] =	ssyncset.done $0x0;
	p2 =	sgt.u32 s25, $0x7A0  }
0x8d: {  	[sflag:s14] =	ssyncadd.s32 $0xFFFF8000;
	s28 =	sshll.u32 @!p2 s25, $0x9;
	s29 =	simm.s32 @!p2 $0x1000  }
0x8e: {  	s30 =	simm.s32 @!p2 $0x7A1400;
	s31 =	simm.s32 @!p2 $0x14100;
	s28 =	sadd.s32 @!p2 s3, s28  }
0x8f: {  	[tilespmem:s31], [sflag:$0x2] =	stream.strided.gather @!p2 [hbm4b:s28+s29], $0x8000, s30, s29, $0x38;
	[tilespmem:$0x1E500] =	vst v63  }
.Ltmp6:
0x90: {  	(pc) =	sbr.rel .LBB2_6-.Ltmp6, $2  }
0x91: {  	_ =	sdelay $0x2  }
0x92: {  	v19 =	vmov s26;
	s28 =	simm.s32 $0x0  }
.LBB2_9:
0x93: {  	s28 =	sadd.s32 $0x1, s28  }
0x94: {  	p3 =	sne.s32 s28, s23  }
.Ltmp7:
0x95: {  	_ = 	snop;
	(pc) =	sbr.rel @!p3 .LBB2_10-.Ltmp7, $1  }
0x96: {  	_ =	sdelay $0x3  }
.LBB2_6:
0x97: {  	s29 =	sshll.u32 s28, $0x4  }
0x98: {  	v20 =	vld [tilespmem:s29+$0x4000];
	_ =	sdelay $0x4  }
0x99: {  	v21 =	vshra.s32 v20, $0x9  }
0x9a: {  	v21 =	vxor.u32 v19, v21  }
0x9b: {  	vm0 =	vlt.s32 v21, $0x1  }
0x9c: {  	v22 =	vmctz.xlane vm0;
	_ =	sdelay $0x1  }
0x9d: {  	(v2sf) =	vpush v22, $0x0;
	_ =	sdelay $0xe  }
0x9e: {  	s30 =	spop (v2sf)  }
0x9f: {  	p3 =	sgt.s32 s30, $0xF  }
.Ltmp8:
0xa0: {  	_ = 	snop;
	(pc) =	sbr.rel @p3 .LBB2_9-.Ltmp8, $1  }
0xa1: {  	_ =	sdelay $0x3  }
0xa2: {  	v22 =	vadd.s32 $0xFFFFFFFF, v21  }
0xa3: {  	v21 =	vld [tilespmem:s29+$0x8080];
	s29 =	sshll.u32 s22, $0x6;
	v22 =	vshrl.u32 v22, $0x1F  }
.LBB2_8:
0xa4: {  	v23 =	vmov s30  }
0xa5: {  	v24 =	vperm.xlane v20, v23;
	_ =	sdelay $0x1  }
0xa6: {  	(v2sf) =	vpush v24, $0x0;
	_ =	sdelay $0x4  }
0xa7: {  	v60 =	vperm.xlane v21, v23;
	_ =	sdelay $0x1  }
0xa8: {  	(v2sf) =	vpush v60, $0x0;
	_ =	sdelay $0x7  }
0xa9: {  	s30 =	spop (v2sf)  }
0xaa: {  	s30 =	sand.u32 $0x1FF, s30  }
0xab: {  	v61 =	vmov s30  }
0xac: {  	v25 =	vshll.u32 v61, $0x3  }
0xad: {  	v24 =	vand.u32 $0x7F, v61;
	v25 =	vand.u32 $0xC00, v25  }
0xae: {  	v24 =	vor.u32 v24, v25  }
0xaf: {  	p3 =	slt.s32 s22, $0x10;
	v25 =	vor.u32 v11, v24  }
0xb0: {  	s31 =	simm.s32 @!p3 $0x3;
	s30 =	spop (v2sf)  }
0xb1: {  	_ =	swait.ge @!p3 [sflag:s31], $0x40  }
0xb2: {  	[sflag:s31] =	ssyncset.done @!p3 $0x0  }
0xb3: {  	[sflag:s31] =	ssyncadd.s32 @!p3 $0xFFFFFFC0  }
0xb4: {  	v25 =	vld.idx.msk [tilespmem:v25+s17+$0x0], $0xffff  }
0xb5: {  	v26 =	vor.u32 v13, v24;
	_ =	sdelay $0x1  }
0xb6: {  	v23 =	vxor.u32 v8, v23  }
0xb7: {  	v23 =	vadd.s32 $0xFFFFFFFF, v23;
	s31 =	sand.u32 $0x3C0, s29  }
0xb8: {  	vm0 =	vlt.s32 v23, $0x0;
	[tilespmem:s31+$0x1E100] =	vst v25  }
0xb9: {  	v22 =	vsel vm0, $0x0, v22;
	v23 =	vld.idx.msk [tilespmem:v26+s17+$0x0], $0xffff  }
0xba: {  	vm0 =	vne.s32 v22, $0x0;
	v62 =	vor.u32 v14, v24  }
0xbb: {  	v63 =	vmctz.xlane vm0;
	_ =	sdelay $0x1  }
0xbc: {  	(v2sf) =	vpush v63, $0x0  }
0xbd: {  	[tilespmem:s31+$0x1E110] =	vst v23  }
0xbe: {  	v23 =	vld.idx.msk [tilespmem:v62+s17+$0x0], $0xffff  }
0xbf: {  	v24 =	vor.u32 v15, v24;
	_ =	sdelay $0x3  }
0xc0: {  	[tilespmem:s31+$0x1E120] =	vst v23  }
0xc1: {  	v23 =	vld.idx.msk [tilespmem:v24+s17+$0x0], $0xffff;
	_ =	sdelay $0x2  }
0xc2: {  	s30 =	sshll.u32 s30, $0x3  }
0xc3: {  	s30 =	sand.u32 $0x1FFFFFF8, s30  }
0xc4: {  	s30 =	sadd.s32 s5, s30;
	s4 =	sadd.s32 $0x1E100, s31;
	[tilespmem:s31+$0x1E130] =	vst v23  }
0xc5: {  	[hbm4b:s30+s6] =	stream.linear.scatter [tilespmem:s4], [sflag:$0x3], $0x40, $0x38;
	[tilespmem:$0x1E500] =	vst v63  }
0xc6: {  	s30 =	spop (v2sf)  }
0xc7: {  	p3 =	slt.s32 s30, $0x10  }
.Ltmp9:
0xc8: {  	_ = 	snop;
	(pc) =	sbr.rel @p3 .LBB2_8-.Ltmp9, $3  }
0xc9: {  	_ =	sdelay $0x1  }
0xca: {  	s22 =	sadd.s32 $0x1, s22  }
0xcb: {  	s29 =	sadd.s32 $0x40, s29;
	[smem:$0x0] =	sst s22  }
.Ltmp10:
0xcc: {  	_ = 	snop;
	(pc) =	sbr.rel .LBB2_9-.Ltmp10, $1  }
0xcd: {  	_ =	sdelay $0x3  }
.LBB2_10:
0xce: {  	s4 =	simm.s32 @!p2 $0x2  }
0xcf: {  	p3 =	sgt.u32 @!p2 s26, $0x760;
	_ =	swait.ge @!p2 [sflag:s4], $0x8000  }
0xd0: {  	p3 =	por p3, p2;
	[sflag:s4] =	ssyncset.done @!p2 $0x0  }
0xd1: {  	s26 =	sshll.u32 @!p3 s26, $0x9;
	s28 =	simm.s32 @!p3 $0x7A1400;
	s29 =	simm.s32 @!p3 $0xC100  }
0xd2: {  	[sflag:s4] =	ssyncadd.s32 @!p2 $0xFFFF8000;
	s4 =	sadd.s32 @!p3 s26, s8;
	s26 =	simm.s32 @!p3 $0x1000  }
0xd3: {  	[tilespmem:s29], [sflag:$0x1] =	stream.strided.gather @!p3 [hbm4b:s4+s26], $0x8000, s28, s26, $0x38;
	[tilespmem:$0x1E500] =	vst v63  }
0xd4: {  	p3 =	slt.s32 @!p2 s23, $0x1  }
0xd5: {  	p3 =	por p2, p3  }
.Ltmp11:
0xd6: {  	_ = 	snop;
	(pc) =	sbr.rel @p3 .LBB2_11-.Ltmp11, $1  }
0xd7: {  	_ =	sdelay $0x3  }
.Ltmp12:
0xd8: {  	(pc) =	sbr.rel .LBB2_13-.Ltmp12, $2  }
0xd9: {  	_ =	sdelay $0x2  }
0xda: {  	v19 =	vmov s25;
	s25 =	simm.s32 $0x0  }
.LBB2_16:
0xdb: {  	s25 =	sadd.s32 $0x1, s25  }
0xdc: {  	p2 =	sne.s32 s25, s23  }
.Ltmp13:
0xdd: {  	_ = 	snop;
	(pc) =	sbr.rel @!p2 .LBB2_17-.Ltmp13, $1  }
0xde: {  	_ =	sdelay $0x3  }
.LBB2_13:
0xdf: {  	s26 =	sshll.u32 s25, $0x4  }
0xe0: {  	v20 =	vld [tilespmem:s26+$0x4000];
	_ =	sdelay $0x4  }
0xe1: {  	v21 =	vshra.s32 v20, $0x9  }
0xe2: {  	v21 =	vxor.u32 v19, v21  }
0xe3: {  	vm0 =	vlt.s32 v21, $0x1  }
0xe4: {  	v22 =	vmctz.xlane vm0;
	_ =	sdelay $0x1  }
0xe5: {  	(v2sf) =	vpush v22, $0x0;
	_ =	sdelay $0xe  }
0xe6: {  	s28 =	spop (v2sf)  }
0xe7: {  	p2 =	sgt.s32 s28, $0xF  }
.Ltmp14:
0xe8: {  	_ = 	snop;
	(pc) =	sbr.rel @p2 .LBB2_16-.Ltmp14, $1  }
0xe9: {  	_ =	sdelay $0x3  }
0xea: {  	v22 =	vadd.s32 $0xFFFFFFFF, v21  }
0xeb: {  	v21 =	vld [tilespmem:s26+$0x8080];
	s26 =	sshll.u32 s22, $0x6;
	v22 =	vshrl.u32 v22, $0x1F  }
.LBB2_15:
0xec: {  	v23 =	vmov s28  }
0xed: {  	v24 =	vperm.xlane v20, v23;
	_ =	sdelay $0x1  }
0xee: {  	(v2sf) =	vpush v24, $0x0;
	_ =	sdelay $0x4  }
0xef: {  	v60 =	vperm.xlane v21, v23;
	_ =	sdelay $0x1  }
0xf0: {  	(v2sf) =	vpush v60, $0x0;
	_ =	sdelay $0x7  }
0xf1: {  	s4 =	spop (v2sf)  }
0xf2: {  	s4 =	sand.u32 $0x1FF, s4  }
0xf3: {  	v61 =	vmov s4  }
0xf4: {  	v25 =	vshll.u32 v61, $0x3  }
0xf5: {  	v24 =	vand.u32 $0x7F, v61;
	v25 =	vand.u32 $0xC00, v25  }
0xf6: {  	v24 =	vor.u32 v24, v25  }
0xf7: {  	p2 =	slt.s32 s22, $0x10;
	v25 =	vor.u32 v11, v24  }
0xf8: {  	s28 =	simm.s32 @!p2 $0x3;
	s31 =	spop (v2sf)  }
0xf9: {  	_ =	swait.ge @!p2 [sflag:s28], $0x40  }
0xfa: {  	[sflag:s28] =	ssyncset.done @!p2 $0x0  }
0xfb: {  	[sflag:s28] =	ssyncadd.s32 @!p2 $0xFFFFFFC0  }
0xfc: {  	v25 =	vld.idx.msk [tilespmem:v25+s18+$0x0], $0xffff  }
0xfd: {  	v23 =	vxor.u32 v8, v23;
	v26 =	vor.u32 v13, v24  }
0xfe: {  	v23 =	vadd.s32 $0xFFFFFFFF, v23  }
0xff: {  	vm0 =	vlt.s32 v23, $0x0  }
0x100: {  	v22 =	vsel vm0, $0x0, v22;
	s28 =	sand.u32 $0x3C0, s26  }
0x101: {  	vm0 =	vne.s32 v22, $0x0;
	[tilespmem:s28+$0x1E100] =	vst v25  }
0x102: {  	v63 =	vmctz.xlane vm0;
	v23 =	vld.idx.msk [tilespmem:v26+s18+$0x0], $0xffff  }
0x103: {  	v62 =	vor.u32 v14, v24  }
0x104: {  	(v2sf) =	vpush v63, $0x0;
	_ =	sdelay $0x2  }
0x105: {  	[tilespmem:s28+$0x1E110] =	vst v23  }
0x106: {  	v23 =	vld.idx.msk [tilespmem:v62+s18+$0x0], $0xffff  }
0x107: {  	v24 =	vor.u32 v15, v24;
	_ =	sdelay $0x3  }
0x108: {  	[tilespmem:s28+$0x1E120] =	vst v23  }
0x109: {  	v23 =	vld.idx.msk [tilespmem:v24+s18+$0x0], $0xffff;
	_ =	sdelay $0x4  }
0x10a: {  	s29 =	sadd.s32 $0x1E100, s28;
	[tilespmem:s28+$0x1E130] =	vst v23;
	s28 =	spop (v2sf)  }
0x10b: {  	p2 =	slt.s32 s28, $0x10  }
.Ltmp15:
0x10c: {  	_ = 	snop;
	(pc) =	sbr.rel @p2 .LBB2_15-.Ltmp15, $4  }
0x10d: {  	s4 =	sshll.u32 s31, $0x3  }
0x10e: {  	s22 =	sadd.s32 $0x1, s22;
	s4 =	sand.u32 $0x1FFFFFF8, s4  }
0x10f: {  	s4 =	sadd.s32 s5, s4;
	s26 =	sadd.s32 $0x40, s26;
	[smem:$0x0] =	sst s22  }
0x110: {  	[hbm4b:s4+s6] =	stream.linear.scatter [tilespmem:s29], [sflag:$0x3], $0x40, $0x38;
	[tilespmem:$0x1E500] =	vst v63  }
.Ltmp16:
0x111: {  	_ = 	snop;
	(pc) =	sbr.rel .LBB2_16-.Ltmp16, $1  }
0x112: {  	_ =	sdelay $0x3  }
.LBB2_18:
0x113: {  	s4 =	simm.s32 @!p4 $0x400  }
0x114: {  	s24 =	simm.s32 @!p4 $0x7A1400;
	s25 =	simm.s32 @!p4 $0x1C100;
	p1 =	slt.s32 @!p4 s23, $0x1  }
0x115: {  	[tilespmem:s25], [sflag:$0x4] =	stream.strided.gather @!p4 [hbm4b:s9+s4], $0x2000, s24, s4, $0x38;
	[tilespmem:$0x1E500] =	vst v63  }
0x116: {  	p1 =	por p4, p1  }
.Ltmp17:
0x117: {  	_ = 	snop;
	(pc) =	sbr.rel @!p1 .LBB2_20-.Ltmp17, $4  }
0x118: {  	s4 =	simm.s32 @!p4 $0x4  }
0x119: {  	_ =	swait.ge @!p4 [sflag:s4], $0x2000  }
0x11a: {  	[sflag:s4] =	ssyncset.done @!p4 $0x0  }
0x11b: {  	s24 =	simm.s32 @!p4 $0x0;
	[sflag:s4] =	ssyncadd.s32 @!p4 $0xFFFFE000  }
0x11c: {  	s22 =	smov.u32 @p4 s22  }
.LBB2_24:
0x11d: {  	p1 =	slt.s32 s22, $0x1  }
0x11e: {  	s4 =	simm.s32 @!p1 $0x3  }
0x11f: {  	p2 =	seq.s32 @!p1 s22, $0x1;
	_ =	swait.ge @!p1 [sflag:s4], $0x40  }
0x120: {  	p2 =	por p1, p2;
	[sflag:s4] =	ssyncset.done @!p1 $0x0  }
0x121: {  	[sflag:s4] =	ssyncadd.s32 @!p1 $0xFFFFFFC0;
	s4 =	simm.s32 @!p2 $0x3  }
0x122: {  	p1 =	slt.u32 @!p2 s22, $0x3;
	_ =	swait.ge @!p2 [sflag:s4], $0x40  }
0x123: {  	p1 =	por p2, p1;
	[sflag:s4] =	ssyncset.done @!p2 $0x0  }
0x124: {  	[sflag:s4] =	ssyncadd.s32 @!p2 $0xFFFFFFC0;
	s4 =	simm.s32 @!p1 $0x3  }
0x125: {  	p2 =	seq.s32 @!p1 s22, $0x3;
	_ =	swait.ge @!p1 [sflag:s4], $0x40  }
0x126: {  	p2 =	por p1, p2;
	[sflag:s4] =	ssyncset.done @!p1 $0x0  }
0x127: {  	[sflag:s4] =	ssyncadd.s32 @!p1 $0xFFFFFFC0;
	s4 =	simm.s32 @!p2 $0x3  }
0x128: {  	p1 =	slt.u32 @!p2 s22, $0x5;
	_ =	swait.ge @!p2 [sflag:s4], $0x40  }
0x129: {  	p1 =	por p2, p1;
	[sflag:s4] =	ssyncset.done @!p2 $0x0  }
0x12a: {  	[sflag:s4] =	ssyncadd.s32 @!p2 $0xFFFFFFC0;
	s4 =	simm.s32 @!p1 $0x3  }
0x12b: {  	p2 =	seq.s32 @!p1 s22, $0x5;
	_ =	swait.ge @!p1 [sflag:s4], $0x40  }
0x12c: {  	p2 =	por p1, p2;
	[sflag:s4] =	ssyncset.done @!p1 $0x0  }
0x12d: {  	[sflag:s4] =	ssyncadd.s32 @!p1 $0xFFFFFFC0;
	s4 =	simm.s32 @!p2 $0x3  }
0x12e: {  	p1 =	slt.u32 @!p2 s22, $0x7;
	_ =	swait.ge @!p2 [sflag:s4], $0x40  }
0x12f: {  	p1 =	por p2, p1;
	[sflag:s4] =	ssyncset.done @!p2 $0x0  }
0x130: {  	[sflag:s4] =	ssyncadd.s32 @!p2 $0xFFFFFFC0;
	s4 =	simm.s32 @!p1 $0x3  }
0x131: {  	p2 =	seq.s32 @!p1 s22, $0x7;
	_ =	swait.ge @!p1 [sflag:s4], $0x40  }
0x132: {  	p2 =	por p1, p2;
	[sflag:s4] =	ssyncset.done @!p1 $0x0  }
0x133: {  	[sflag:s4] =	ssyncadd.s32 @!p1 $0xFFFFFFC0;
	s4 =	simm.s32 @!p2 $0x3  }
0x134: {  	p1 =	slt.u32 @!p2 s22, $0x9;
	_ =	swait.ge @!p2 [sflag:s4], $0x40  }
0x135: {  	p1 =	por p2, p1;
	[sflag:s4] =	ssyncset.done @!p2 $0x0  }
0x136: {  	[sflag:s4] =	ssyncadd.s32 @!p2 $0xFFFFFFC0;
	s4 =	simm.s32 @!p1 $0x3  }
0x137: {  	p2 =	seq.s32 @!p1 s22, $0x9;
	_ =	swait.ge @!p1 [sflag:s4], $0x40  }
0x138: {  	p2 =	por p1, p2;
	[sflag:s4] =	ssyncset.done @!p1 $0x0  }
0x139: {  	[sflag:s4] =	ssyncadd.s32 @!p1 $0xFFFFFFC0;
	p1 =	slt.u32 @!p2 s22, $0xB  }
0x13a: {  	p1 =	por p2, p1  }
.Ltmp18:
0x13b: {  	_ = 	snop;
	(pc) =	sbr.rel @p1 .LBB2_26-.Ltmp18, $4  }
0x13c: {  	s4 =	simm.s32 @!p2 $0x3  }
0x13d: {  	_ =	swait.ge @!p2 [sflag:s4], $0x40  }
0x13e: {  	[sflag:s4] =	ssyncset.done @!p2 $0x0  }
0x13f: {  	[sflag:s4] =	ssyncadd.s32 @!p2 $0xFFFFFFC0  }
0x140: {  	p1 =	seq.s32 s22, $0xB  }
0x141: {  	p2 =	slt.u32 @!p1 s22, $0xD  }
0x142: {  	p3 =	por p2, p1  }
0x143: {  	_ =	swait.ge [sflag:s20], $0x40;
	p4 =	seq.s32 @!p3 s22, $0xD  }
0x144: {  	[sflag:s20] =	ssyncset.done $0x0;
	s23 =	simm.s32 @!p4 $0x0;
	p5 =	por @!p1 p4, p2  }
0x145: {  	s4 =	simm.s32 @!p1 $0x3;
	s23 =	simm.s32 @p4 $0x1;
	p5 =	por p5, p1  }
0x146: {  	[sflag:s20] =	ssyncadd.s32 $0xFFFFFFC0;
	[smem:$0x7FC] =	sst s23;
	p0 =	slt.u32 @!p5 s22, $0xF  }
0x147: {  	_ =	swait.ge @!p1 [sflag:s4], $0x40;
	s23 =	simm.s32 @!p0 $0x0  }
0x148: {  	[sflag:s4] =	ssyncset.done @!p1 $0x0;
	s23 =	simm.s32 @p0 $0x1  }
0x149: {  	[sflag:s4] =	ssyncadd.s32 @!p1 $0xFFFFFFC0;
	s4 =	simm.s32 @!p3 $0x3;
	[smem:$0x7FB] =	sst s23  }
0x14a: {  	_ =	swait.ge @!p3 [sflag:s4], $0x40  }
0x14b: {  	[sflag:s4] =	ssyncset.done @!p3 $0x0  }
0x14c: {  	[sflag:s4] =	ssyncadd.s32 @!p3 $0xFFFFFFC0;
	s4 =	simm.s32 @!p5 $0x3  }
0x14d: {  	_ =	swait.ge @!p5 [sflag:s4], $0x40  }
0x14e: {  	p0 =	por @!p3 p0, p4;
	s29 =	sld [smem:$0x7FB]  }
0x14f: {  	p0 =	por @!p1 p0, p2;
	s30 =	sld [smem:$0x7FC]  }
0x150: {  	p0 =	por p0, p1  }
0x151: {  	p6 =	seq.s32 @!p0 s22, $0xF;
	p4 =	seq.s32 s29, $0x1  }
0x152: {  	[sflag:s4] =	ssyncset.done @!p5 $0x0;
	p6 =	por @!p5 p6, p4;
	p4 =	seq.s32 s30, $0x1  }
0x153: {  	[sflag:s4] =	ssyncadd.s32 @!p5 $0xFFFFFFC0;
	s4 =	simm.s32 @!p0 $0x3;
	p3 =	por @!p3 p6, p4  }
0x154: {  	s31 =	sld [smem:$0x7FD];
	_ =	swait.ge @!p0 [sflag:s4], $0x40;
	p2 =	por @!p1 p3, p2  }
.Ltmp19:
0x155: {  	[sflag:s4] =	ssyncset.done @!p0 $0x0;
	p1 =	por p2, p1;
	(pc) =	sbr.rel .LBB2_26-.Ltmp19, $4  }
0x156: {  	[sflag:s4] =	ssyncadd.s32 @!p0 $0xFFFFFFC0;
	s4 =	simm.s32 @!p1 $0x3  }
0x157: {  	_ =	swait.ge @!p1 [sflag:s4], $0x40  }
0x158: {  	[sflag:s4] =	ssyncset.done @!p1 $0x0  }
0x159: {  	p4 =	seq.s32 s31, $0x1;
	[sflag:s4] =	ssyncadd.s32 @!p1 $0xFFFFFFC0  }
.LBB2_23:
0x15a: {  	s24 =	sadd.s32 $0x1, s24  }
0x15b: {  	p1 =	sne.s32 s24, s23  }
.Ltmp20:
0x15c: {  	_ = 	snop;
	(pc) =	sbr.rel @!p1 .LBB2_24-.Ltmp20, $1  }
0x15d: {  	_ =	sdelay $0x3  }
.LBB2_20:
0x15e: {  	s25 =	sshll.u32 s24, $0x4  }
0x15f: {  	v19 =	vld [tilespmem:s25+$0x4000];
	_ =	sdelay $0x4  }
0x160: {  	v20 =	vshra.s32 v19, $0x9  }
0x161: {  	v20 =	vxor.u32 $0x7A1, v20  }
0x162: {  	vm0 =	vlt.s32 v20, $0x1  }
0x163: {  	v21 =	vmctz.xlane vm0;
	_ =	sdelay $0x1  }
0x164: {  	(v2sf) =	vpush v21, $0x0;
	_ =	sdelay $0xe  }
0x165: {  	s26 =	spop (v2sf)  }
0x166: {  	p1 =	sgt.s32 s26, $0xF  }
.Ltmp21:
0x167: {  	_ = 	snop;
	(pc) =	sbr.rel @p1 .LBB2_23-.Ltmp21, $1  }
0x168: {  	_ =	sdelay $0x3  }
0x169: {  	v21 =	vadd.s32 $0xFFFFFFFF, v20;
	v20 =	vld [tilespmem:s25+$0x8080];
	_ =	sdelay $0x2  }
0x16a: {  	s25 =	sshll.u32 s22, $0x6;
	v21 =	vshrl.u32 v21, $0x1F  }
.LBB2_22:
0x16b: {  	v22 =	vmov s26  }
0x16c: {  	v23 =	vperm.xlane v20, v22;
	_ =	sdelay $0x1  }
0x16d: {  	(v2sf) =	vpush v23, $0x0;
	_ =	sdelay $0x8  }
0x16e: {  	v23 =	vperm.xlane v19, v22;
	_ =	sdelay $0x1  }
0x16f: {  	v23 =	vand.u32 $0x1FF, v23  }
0x170: {  	v23 =	vbroadcast v23, $0x0;
	_ =	sdelay $0x1  }
0x171: {  	p1 =	slt.s32 s22, $0x10;
	v24 =	vadd.s32 v12, v23  }
0x172: {  	s26 =	simm.s32 @!p1 $0x3;
	v22 =	vxor.u32 v8, v22;
	s4 =	spop (v2sf)  }
0x173: {  	v22 =	vadd.s32 $0xFFFFFFFF, v22;
	_ =	swait.ge @!p1 [sflag:s26], $0x40  }
0x174: {  	vm0 =	vlt.s32 v22, $0x0;
	[sflag:s26] =	ssyncset.done @!p1 $0x0  }
0x175: {  	v21 =	vsel vm0, $0x0, v21;
	[sflag:s26] =	ssyncadd.s32 @!p1 $0xFFFFFFC0  }
0x176: {  	vm0 =	vne.s32 v21, $0x0;
	v24 =	vld.idx.msk [tilespmem:v24+s19+$0x0], $0xffff  }
0x177: {  	v25 =	vadd.s32 v16, v23;
	v63 =	vmctz.xlane vm0;
	_ =	sdelay $0x1  }
0x178: {  	(v2sf) =	vpush v63, $0x0  }
0x179: {  	s31 =	sand.u32 $0x3C0, s25  }
0x17a: {  	[tilespmem:s31+$0x1E100] =	vst v24  }
0x17b: {  	v22 =	vld.idx.msk [tilespmem:v25+s19+$0x0], $0xffff  }
0x17c: {  	v62 =	vadd.s32 v17, v23;
	_ =	sdelay $0x3  }
0x17d: {  	[tilespmem:s31+$0x1E110] =	vst v22  }
0x17e: {  	v22 =	vld.idx.msk [tilespmem:v62+s19+$0x0], $0xffff  }
0x17f: {  	v23 =	vadd.s32 v18, v23;
	_ =	sdelay $0x3  }
0x180: {  	[tilespmem:s31+$0x1E120] =	vst v22  }
0x181: {  	s26 =	spop (v2sf);
	v22 =	vld.idx.msk [tilespmem:v23+s19+$0x0], $0xffff  }
0x182: {  	p1 =	slt.s32 s26, $0x10  }
.Ltmp22:
0x183: {  	_ = 	snop;
	(pc) =	sbr.rel @p1 .LBB2_22-.Ltmp22, $4  }
0x184: {  	s4 =	sshll.u32 s4, $0x3  }
0x185: {  	s22 =	sadd.s32 $0x1, s22;
	s25 =	sadd.s32 $0x40, s25;
	s4 =	sand.u32 $0x1FFFFFF8, s4  }
0x186: {  	s28 =	sadd.s32 $0x1E100, s31;
	s4 =	sadd.s32 s5, s4;
	[smem:$0x0] =	sst s22;
	[tilespmem:s31+$0x1E130] =	vst v22  }
0x187: {  	[hbm4b:s4+s6] =	stream.linear.scatter [tilespmem:s28], [sflag:$0x3], $0x40, $0x38;
	[tilespmem:$0x1E500] =	vst v63  }
.Ltmp23:
0x188: {  	_ = 	snop;
	(pc) =	sbr.rel .LBB2_23-.Ltmp23, $1  }
0x189: {  	_ =	sdelay $0x3  }
.LBB2_27:
0x18a: {  	_ =	sfence.sel $0x180000  }
0x18b: {  	[bflag:$0x0] =	sbarrier.arrive $0xFFFF  }
0x18c: {  	_ =	strace $0x90000047  }
0x18d: {  	[bflag:$0x2] =	sbarrier.arrive $0xFFFF  }
0x18e: {  	p0 =	sne.s32 s0, $0x0;
	s0 =	rddreg [dreg:$0x3]  }
0x18f: {  	s0 =	sadd.s32 @!p0 $0x100000, s0  }
0x190: {  	[sflag:s0] =	ssyncadd.tile.s32 @!p0 $0x1;
	_ =	shalt  }
.Lfunc_end2:
_tile_overlayer_lowered:
.L_overlay_start_2:
0x191: {  	(tag) =	ssettag $0x2  }
0x192: {  	s0 =	rddreg [dreg:$0x0];
	s2 =	stileid.u32  }
0x193: {  	s1 =	rddreg [dreg:$0x1];
	p0 =	sne.s32 s2, $0x0  }
0x194: {  	s3 =	rddreg [dreg:$0x2];
	[bflag:$0x3] =	sbarrier.arrive $0xFFFF;
	s2 =	simm.s32 @!p0 $0x1C04  }
0x195: {  	[timem:s3], [sflag:s2] =	dma.local @!p0 [hbm:s0], s1  }
0x196: {  	s0 =	simm.s32 @!p0 $0x4  }
0x197: {  	_ =	swait.ge @!p0 [sflag:s0], s1  }
0x198: {  	s1 =	ssub.s32 @!p0 $0x0, s1;
	[sflag:s0] =	ssyncset.done @!p0 $0x0  }
0x199: {  	[sflag:s0] =	ssyncadd.s32 @!p0 s1  }
0x19a: {  	[bflag:$0x3] =	sbarrier.arrive $0xFFFF  }
0x19b: {  	_ =	shalt  }

</sc_bundles>
